<compile_context>
chip_gen: v7x
topology: tpu7x:2x2x1
jax: 0.10.2.dev20260603
libtpu: 0.0.44.dev20260713+nightly
codegen_flags: <defaults>
</compile_context>

<pallas_src>
import functools

import jax
import jax.numpy as jnp
from jax import lax
from jax.experimental import pallas as pl
from jax.experimental.pallas import tpu as pltpu
from jax.experimental.pallas import tpu_sc as plsc

_V = 8192
_D = 8192
_B = 8192
_NC = 2
_NS = 16
_NW = _NC * _NS
_BW = _B // _NW
_R = 4
_NCHUNK = _BW // _R


def _gather_body(table_hbm, idx_hbm, out_hbm, idx_v,
                 b0, b1, b2, g0, g1, g2, p0, p1, p2):
    wid = lax.axis_index("s") * _NC + lax.axis_index("c")
    base = wid * _BW
    pltpu.sync_copy(idx_hbm.at[wid], idx_v)

    def gather(chunk, buf, sem):
        pltpu.async_copy(table_hbm.at[idx_v.at[chunk]], buf, sem)

    def put(chunk, buf, sem):
        off = pl.multiple_of(chunk * _R, _R)
        pltpu.async_copy(buf, out_hbm.at[pl.ds(base + off, _R)], sem)

    def wait_gather(buf, sem):
        pltpu.make_async_copy(table_hbm.at[pl.ds(0, _R)], buf, sem).wait()

    def wait_put(buf, sem):
        pltpu.make_async_copy(buf, out_hbm.at[pl.ds(base, _R)], sem).wait()

    gather(0, b2, g2)
    wait_gather(b2, g2)
    put(0, b2, p2)
    gather(1, b0, g0)
    gather(2, b1, g1)
    wait_put(b2, p2)
    gather(3, b2, g2)

    @pl.loop(1, _NCHUNK - 5, step=3)
    def _body(i):
        wait_gather(b0, g0)
        put(i, b0, p0)
        wait_gather(b1, g1)
        put(i + 1, b1, p1)
        wait_put(b0, p0)
        gather(i + 3, b0, g0)
        wait_gather(b2, g2)
        put(i + 2, b2, p2)
        wait_put(b1, p1)
        gather(i + 4, b1, g1)
        wait_put(b2, p2)
        gather(i + 5, b2, g2)

    wait_gather(b0, g0)
    put(_NCHUNK - 3, b0, p0)
    wait_gather(b1, g1)
    put(_NCHUNK - 2, b1, p1)
    wait_gather(b2, g2)
    put(_NCHUNK - 1, b2, p2)
    wait_put(b0, p0)
    wait_put(b1, p1)
    wait_put(b2, p2)


@jax.jit
def _gather(table, idx):
    run = functools.partial(
        pl.kernel,
        mesh=plsc.VectorSubcoreMesh(core_axis_name="c", subcore_axis_name="s"),
        out_type=jax.ShapeDtypeStruct((_B, _D), jnp.float32),
        scratch_types=[
            pltpu.VMEM((_NCHUNK, _R), jnp.int32),
            pltpu.VMEM((_R, _D), jnp.float32),
            pltpu.VMEM((_R, _D), jnp.float32),
            pltpu.VMEM((_R, _D), jnp.float32),
            pltpu.SemaphoreType.DMA,
            pltpu.SemaphoreType.DMA,
            pltpu.SemaphoreType.DMA,
            pltpu.SemaphoreType.DMA,
            pltpu.SemaphoreType.DMA,
            pltpu.SemaphoreType.DMA,
        ],
    )(_gather_body)
    return run(table, idx)


def kernel(x, table):
    idx = x.reshape(_NW, _NCHUNK, _R)
    out = _gather(table, idx)
    return out.reshape(x.shape + (table.shape[1],))

# --- scband reference (transcript-rebuilt; emitter-appended) ---
"""Pipeline reference for scband-bigram-lm-18296560681287 (READ-ONLY COPY).

The authoritative reference and input builder live on the scoring server;
editing this copy changes nothing except your own understanding.
"""

import jax, jax.numpy as jnp
import numpy as np

VOCAB = 8192
BATCH = 4
SEQ = 2048

def setup_inputs(seed: int = 0) -> dict:
    key = jax.random.key(seed)
    k_idx, k_tab = jax.random.split(key)
    x = jax.random.randint(k_idx, (BATCH, SEQ), 0, VOCAB, dtype=jnp.int32)
    # nn.Embedding default init: N(0, 1)
    table = jax.random.normal(k_tab, (VOCAB, VOCAB), dtype=jnp.float32)
    return {"x": x, "table": table}

def reference(x, table):
    # BigramLM.forward: self.table(x) -> embedding row gather
    return jnp.take(table, x, axis=0)

if __name__ == "__main__":
    import jax
    _d = setup_inputs()
    print(jax.jit(kernel)(*tuple(_d.values())))

</pallas_src>

<mosaic_0001>
#map = affine_map<(d0, d1) -> (0, 0)>
#map1 = affine_map<(d0, d1) -> (0, 0, 0)>
module attributes {stable_mosaic.version = 14 : i64} {
  func.func @_gather_body(%arg0: i32, %arg1: i32, %arg2: memref<8192x8192xf32, #tpu.memory_space<hbm>>, %arg3: memref<32x64x4xi32, #tpu.memory_space<hbm>>, %arg4: memref<8192x8192xf32, #tpu.memory_space<hbm>>, %arg5: memref<64x4xi32, #tpu.memory_space<vmem>>, %arg6: memref<4x8192xf32, #tpu.memory_space<vmem>>, %arg7: memref<4x8192xf32, #tpu.memory_space<vmem>>, %arg8: memref<4x8192xf32, #tpu.memory_space<vmem>>, %arg9: memref<!tpu.dma_semaphore, #tpu.memory_space<semaphore_mem>>, %arg10: memref<!tpu.dma_semaphore, #tpu.memory_space<semaphore_mem>>, %arg11: memref<!tpu.dma_semaphore, #tpu.memory_space<semaphore_mem>>, %arg12: memref<!tpu.dma_semaphore, #tpu.memory_space<semaphore_mem>>, %arg13: memref<!tpu.dma_semaphore, #tpu.memory_space<semaphore_mem>>, %arg14: memref<!tpu.dma_semaphore, #tpu.memory_space<semaphore_mem>>) attributes {dimension_semantics = [#tpu.dimension_semantics<core_parallel>, #tpu.dimension_semantics<subcore_parallel>], iteration_bounds = array<i64: 2, 16>, scalar_prefetch = 0 : i64, scratch_operands = 10 : i64, tpu.core_type = #tpu.core_type<sc_vector_subcore>, window_params = [{transform_indices = #map}, {transform_indices = #map1}, {transform_indices = #map}]} {
    %mul3A = arith.constant 2 : i32
    %mul3A_0 = arith.muli %arg1, %mul3A : i32
    %add3A = arith.addi %mul3A_0, %arg0 : i32
    %mul3A_1 = arith.constant 256 : i32
    %mul3A_2 = arith.muli %add3A, %mul3A_1 : i32
    "tpu.region"() ({
      %run_scoped3A = tpu.sem_alloc : memref<!tpu.dma_semaphore, #tpu.memory_space<semaphore_mem>>
      %dma_start3A_100 = arith.constant 0 : i32
      %dma_start3A_101 = arith.constant 0 : i32
      %dma_start3A_102 = tpu.memref_slice %arg3[%add3A, %dma_start3A_100, %dma_start3A_101] : memref<32x64x4xi32, #tpu.memory_space<hbm>> -> memref<1x64x4xi32, #tpu.memory_space<hbm>>
      %dma_start3A_103 = tpu.memref_squeeze %dma_start3A_102 : memref<1x64x4xi32, #tpu.memory_space<hbm>> -> memref<64x4xi32, #tpu.memory_space<hbm>>
      %dma_start3A_104 = arith.constant 0 : i32
      %dma_start3A_105 = arith.constant 0 : i32
      %dma_start3A_106 = tpu.memref_slice %arg3[%add3A, %dma_start3A_104, %dma_start3A_105] : memref<32x64x4xi32, #tpu.memory_space<hbm>> -> memref<1x64x4xi32, #tpu.memory_space<hbm>>
      %dma_start3A_107 = tpu.memref_squeeze %dma_start3A_106 : memref<1x64x4xi32, #tpu.memory_space<hbm>> -> memref<64x4xi32, #tpu.memory_space<hbm>>
      tpu.enqueue_dma source(%dma_start3A_107 : memref<64x4xi32, #tpu.memory_space<hbm>>) target(%arg5 : memref<64x4xi32, #tpu.memory_space<vmem>>) target_semaphore(%run_scoped3A : memref<!tpu.dma_semaphore, #tpu.memory_space<semaphore_mem>>)
      %dma_wait3A_108 = arith.constant 0 : i32
      %dma_wait3A_109 = arith.constant 0 : i32
      %dma_wait3A_110 = tpu.memref_slice %arg3[%add3A, %dma_wait3A_108, %dma_wait3A_109] : memref<32x64x4xi32, #tpu.memory_space<hbm>> -> memref<1x64x4xi32, #tpu.memory_space<hbm>>
      %dma_wait3A_111 = tpu.memref_squeeze %dma_wait3A_110 : memref<1x64x4xi32, #tpu.memory_space<hbm>> -> memref<64x4xi32, #tpu.memory_space<hbm>>
      %dma_wait3A_112 = arith.constant 0 : i32
      %dma_wait3A_113 = arith.constant 0 : i32
      %dma_wait3A_114 = tpu.memref_slice %arg3[%add3A, %dma_wait3A_112, %dma_wait3A_113] : memref<32x64x4xi32, #tpu.memory_space<hbm>> -> memref<1x64x4xi32, #tpu.memory_space<hbm>>
      %dma_wait3A_115 = tpu.memref_squeeze %dma_wait3A_114 : memref<1x64x4xi32, #tpu.memory_space<hbm>> -> memref<64x4xi32, #tpu.memory_space<hbm>>
      tpu.wait_dma2 semaphore(%run_scoped3A : memref<!tpu.dma_semaphore, #tpu.memory_space<semaphore_mem>>) src(%dma_wait3A_115 : memref<64x4xi32, #tpu.memory_space<hbm>>) dst(%arg5 : memref<64x4xi32, #tpu.memory_space<vmem>>)
      tpu.yield
    }) : () -> ()
    %dma_start3A = arith.constant 0 : i32
    %dma_start3A_3 = arith.constant 0 : i32
    %dma_start3A_4 = tpu.memref_slice %arg5[%dma_start3A, %dma_start3A_3] : memref<64x4xi32, #tpu.memory_space<vmem>> -> memref<1x4xi32, #tpu.memory_space<vmem>>
    %dma_start3A_5 = tpu.memref_squeeze %dma_start3A_4 : memref<1x4xi32, #tpu.memory_space<vmem>> -> memref<4xi32, #tpu.memory_space<vmem>>
    %dma_start3A_6 = arith.constant 0 : i32
    %dma_start3A_7 = arith.constant 0 : i32
    %dma_start3A_8 = tpu.memref_slice %arg2[%dma_start3A_6, %dma_start3A_7] : memref<8192x8192xf32, #tpu.memory_space<hbm>> -> memref<8192x8192xf32, #tpu.memory_space<hbm>>
    tpu.enqueue_indirect_dma source(%dma_start3A_8 : memref<8192x8192xf32, #tpu.memory_space<hbm>>) target(%arg8 : memref<4x8192xf32, #tpu.memory_space<vmem>>) offsets(%dma_start3A_5 : memref<4xi32, #tpu.memory_space<vmem>>) semaphore(%arg11 : memref<!tpu.dma_semaphore, #tpu.memory_space<semaphore_mem>>)
    %dma_wait3A = arith.constant 0 : i32
    %dma_wait3A_9 = arith.constant 0 : i32
    %dma_wait3A_10 = tpu.memref_slice %arg2[%dma_wait3A, %dma_wait3A_9] : memref<8192x8192xf32, #tpu.memory_space<hbm>> -> memref<4x8192xf32, #tpu.memory_space<hbm>>
    %dma_wait3A_11 = arith.constant 0 : i32
    %dma_wait3A_12 = arith.constant 0 : i32
    %dma_wait3A_13 = tpu.memref_slice %arg2[%dma_wait3A_11, %dma_wait3A_12] : memref<8192x8192xf32, #tpu.memory_space<hbm>> -> memref<4x8192xf32, #tpu.memory_space<hbm>>
    tpu.wait_dma2 semaphore(%arg11 : memref<!tpu.dma_semaphore, #tpu.memory_space<semaphore_mem>>) src(%dma_wait3A_13 : memref<4x8192xf32, #tpu.memory_space<hbm>>) dst(%arg8 : memref<4x8192xf32, #tpu.memory_space<vmem>>)
    %multiple_of3A = arith.constant 0 : i32
    %multiple_of3A_14 = tpu.assume_multiple %multiple_of3A, 4 : i32
    %add3A_15 = arith.addi %mul3A_2, %multiple_of3A_14 : i32
    %dma_start3A_16 = arith.constant 0 : i32
    %dma_start3A_17 = tpu.memref_slice %arg4[%add3A_15, %dma_start3A_16] : memref<8192x8192xf32, #tpu.memory_space<hbm>> -> memref<4x8192xf32, #tpu.memory_space<hbm>>
    %dma_start3A_18 = arith.constant 0 : i32
    %dma_start3A_19 = tpu.memref_slice %arg4[%add3A_15, %dma_start3A_18] : memref<8192x8192xf32, #tpu.memory_space<hbm>> -> memref<4x8192xf32, #tpu.memory_space<hbm>>
    tpu.enqueue_dma source(%arg8 : memref<4x8192xf32, #tpu.memory_space<vmem>>) target(%dma_start3A_19 : memref<4x8192xf32, #tpu.memory_space<hbm>>) target_semaphore(%arg14 : memref<!tpu.dma_semaphore, #tpu.memory_space<semaphore_mem>>)
    %dma_start3A_20 = arith.constant 1 : i32
    %dma_start3A_21 = arith.constant 0 : i32
    %dma_start3A_22 = tpu.memref_slice %arg5[%dma_start3A_20, %dma_start3A_21] : memref<64x4xi32, #tpu.memory_space<vmem>> -> memref<1x4xi32, #tpu.memory_space<vmem>>
    %dma_start3A_23 = tpu.memref_squeeze %dma_start3A_22 : memref<1x4xi32, #tpu.memory_space<vmem>> -> memref<4xi32, #tpu.memory_space<vmem>>
    %dma_start3A_24 = arith.constant 0 : i32
    %dma_start3A_25 = arith.constant 0 : i32
    %dma_start3A_26 = tpu.memref_slice %arg2[%dma_start3A_24, %dma_start3A_25] : memref<8192x8192xf32, #tpu.memory_space<hbm>> -> memref<8192x8192xf32, #tpu.memory_space<hbm>>
    tpu.enqueue_indirect_dma source(%dma_start3A_26 : memref<8192x8192xf32, #tpu.memory_space<hbm>>) target(%arg6 : memref<4x8192xf32, #tpu.memory_space<vmem>>) offsets(%dma_start3A_23 : memref<4xi32, #tpu.memory_space<vmem>>) semaphore(%arg9 : memref<!tpu.dma_semaphore, #tpu.memory_space<semaphore_mem>>)
    %dma_start3A_27 = arith.constant 2 : i32
    %dma_start3A_28 = arith.constant 0 : i32
    %dma_start3A_29 = tpu.memref_slice %arg5[%dma_start3A_27, %dma_start3A_28] : memref<64x4xi32, #tpu.memory_space<vmem>> -> memref<1x4xi32, #tpu.memory_space<vmem>>
    %dma_start3A_30 = tpu.memref_squeeze %dma_start3A_29 : memref<1x4xi32, #tpu.memory_space<vmem>> -> memref<4xi32, #tpu.memory_space<vmem>>
    %dma_start3A_31 = arith.constant 0 : i32
    %dma_start3A_32 = arith.constant 0 : i32
    %dma_start3A_33 = tpu.memref_slice %arg2[%dma_start3A_31, %dma_start3A_32] : memref<8192x8192xf32, #tpu.memory_space<hbm>> -> memref<8192x8192xf32, #tpu.memory_space<hbm>>
    tpu.enqueue_indirect_dma source(%dma_start3A_33 : memref<8192x8192xf32, #tpu.memory_space<hbm>>) target(%arg7 : memref<4x8192xf32, #tpu.memory_space<vmem>>) offsets(%dma_start3A_30 : memref<4xi32, #tpu.memory_space<vmem>>) semaphore(%arg10 : memref<!tpu.dma_semaphore, #tpu.memory_space<semaphore_mem>>)
    %dma_wait3A_34 = arith.constant 0 : i32
    %dma_wait3A_35 = tpu.memref_slice %arg4[%mul3A_2, %dma_wait3A_34] : memref<8192x8192xf32, #tpu.memory_space<hbm>> -> memref<4x8192xf32, #tpu.memory_space<hbm>>
    %dma_wait3A_36 = arith.constant 0 : i32
    %dma_wait3A_37 = tpu.memref_slice %arg4[%mul3A_2, %dma_wait3A_36] : memref<8192x8192xf32, #tpu.memory_space<hbm>> -> memref<4x8192xf32, #tpu.memory_space<hbm>>
    tpu.wait_dma2 semaphore(%arg14 : memref<!tpu.dma_semaphore, #tpu.memory_space<semaphore_mem>>) src(%arg8 : memref<4x8192xf32, #tpu.memory_space<vmem>>) dst(%dma_wait3A_37 : memref<4x8192xf32, #tpu.memory_space<hbm>>)
    %dma_start3A_38 = arith.constant 3 : i32
    %dma_start3A_39 = arith.constant 0 : i32
    %dma_start3A_40 = tpu.memref_slice %arg5[%dma_start3A_38, %dma_start3A_39] : memref<64x4xi32, #tpu.memory_space<vmem>> -> memref<1x4xi32, #tpu.memory_space<vmem>>
    %dma_start3A_41 = tpu.memref_squeeze %dma_start3A_40 : memref<1x4xi32, #tpu.memory_space<vmem>> -> memref<4xi32, #tpu.memory_space<vmem>>
    %dma_start3A_42 = arith.constant 0 : i32
    %dma_start3A_43 = arith.constant 0 : i32
    %dma_start3A_44 = tpu.memref_slice %arg2[%dma_start3A_42, %dma_start3A_43] : memref<8192x8192xf32, #tpu.memory_space<hbm>> -> memref<8192x8192xf32, #tpu.memory_space<hbm>>
    tpu.enqueue_indirect_dma source(%dma_start3A_44 : memref<8192x8192xf32, #tpu.memory_space<hbm>>) target(%arg8 : memref<4x8192xf32, #tpu.memory_space<vmem>>) offsets(%dma_start3A_41 : memref<4xi32, #tpu.memory_space<vmem>>) semaphore(%arg11 : memref<!tpu.dma_semaphore, #tpu.memory_space<semaphore_mem>>)
    %scan3A = arith.constant 0 : i32
    %scan3A_45 = arith.constant 20 : i32
    %scan3A_46 = arith.addi %scan3A, %scan3A_45 : i32
    %scan3A_47 = arith.constant 1 : i32
    scf.for %scan3A_100 = %scan3A to %scan3A_46 step %scan3A_47  : i32 {
      %mul3A_101 = arith.constant 3 : i32
      %mul3A_102 = arith.muli %scan3A_100, %mul3A_101 : i32
      %add3A_103 = arith.constant 1 : i32
      %add3A_104 = arith.addi %add3A_103, %mul3A_102 : i32
      %dma_wait3A_105 = arith.constant 0 : i32
      %dma_wait3A_106 = arith.constant 0 : i32
      %dma_wait3A_107 = tpu.memref_slice %arg2[%dma_wait3A_105, %dma_wait3A_106] : memref<8192x8192xf32, #tpu.memory_space<hbm>> -> memref<4x8192xf32, #tpu.memory_space<hbm>>
      %dma_wait3A_108 = arith.constant 0 : i32
      %dma_wait3A_109 = arith.constant 0 : i32
      %dma_wait3A_110 = tpu.memref_slice %arg2[%dma_wait3A_108, %dma_wait3A_109] : memref<8192x8192xf32, #tpu.memory_space<hbm>> -> memref<4x8192xf32, #tpu.memory_space<hbm>>
      tpu.wait_dma2 semaphore(%arg9 : memref<!tpu.dma_semaphore, #tpu.memory_space<semaphore_mem>>) src(%dma_wait3A_110 : memref<4x8192xf32, #tpu.memory_space<hbm>>) dst(%arg6 : memref<4x8192xf32, #tpu.memory_space<vmem>>)
      %mul3A_111 = arith.constant 4 : i32
      %mul3A_112 = arith.muli %add3A_104, %mul3A_111 : i32
      %multiple_of3A_113 = tpu.assume_multiple %mul3A_112, 4 : i32
      %add3A_114 = arith.addi %mul3A_2, %multiple_of3A_113 : i32
      %dma_start3A_115 = arith.constant 0 : i32
      %dma_start3A_116 = tpu.memref_slice %arg4[%add3A_114, %dma_start3A_115] : memref<8192x8192xf32, #tpu.memory_space<hbm>> -> memref<4x8192xf32, #tpu.memory_space<hbm>>
      %dma_start3A_117 = arith.constant 0 : i32
      %dma_start3A_118 = tpu.memref_slice %arg4[%add3A_114, %dma_start3A_117] : memref<8192x8192xf32, #tpu.memory_space<hbm>> -> memref<4x8192xf32, #tpu.memory_space<hbm>>
      tpu.enqueue_dma source(%arg6 : memref<4x8192xf32, #tpu.memory_space<vmem>>) target(%dma_start3A_118 : memref<4x8192xf32, #tpu.memory_space<hbm>>) target_semaphore(%arg12 : memref<!tpu.dma_semaphore, #tpu.memory_space<semaphore_mem>>)
      %dma_wait3A_119 = arith.constant 0 : i32
      %dma_wait3A_120 = arith.constant 0 : i32
      %dma_wait3A_121 = tpu.memref_slice %arg2[%dma_wait3A_119, %dma_wait3A_120] : memref<8192x8192xf32, #tpu.memory_space<hbm>> -> memref<4x8192xf32, #tpu.memory_space<hbm>>
      %dma_wait3A_122 = arith.constant 0 : i32
      %dma_wait3A_123 = arith.constant 0 : i32
      %dma_wait3A_124 = tpu.memref_slice %arg2[%dma_wait3A_122, %dma_wait3A_123] : memref<8192x8192xf32, #tpu.memory_space<hbm>> -> memref<4x8192xf32, #tpu.memory_space<hbm>>
      tpu.wait_dma2 semaphore(%arg10 : memref<!tpu.dma_semaphore, #tpu.memory_space<semaphore_mem>>) src(%dma_wait3A_124 : memref<4x8192xf32, #tpu.memory_space<hbm>>) dst(%arg7 : memref<4x8192xf32, #tpu.memory_space<vmem>>)
      %add3A_125 = arith.constant 1 : i32
      %add3A_126 = arith.addi %add3A_104, %add3A_125 : i32
      %mul3A_127 = arith.constant 4 : i32
      %mul3A_128 = arith.muli %add3A_126, %mul3A_127 : i32
      %multiple_of3A_129 = tpu.assume_multiple %mul3A_128, 4 : i32
      %add3A_130 = arith.addi %mul3A_2, %multiple_of3A_129 : i32
      %dma_start3A_131 = arith.constant 0 : i32
      %dma_start3A_132 = tpu.memref_slice %arg4[%add3A_130, %dma_start3A_131] : memref<8192x8192xf32, #tpu.memory_space<hbm>> -> memref<4x8192xf32, #tpu.memory_space<hbm>>
      %dma_start3A_133 = arith.constant 0 : i32
      %dma_start3A_134 = tpu.memref_slice %arg4[%add3A_130, %dma_start3A_133] : memref<8192x8192xf32, #tpu.memory_space<hbm>> -> memref<4x8192xf32, #tpu.memory_space<hbm>>
      tpu.enqueue_dma source(%arg7 : memref<4x8192xf32, #tpu.memory_space<vmem>>) target(%dma_start3A_134 : memref<4x8192xf32, #tpu.memory_space<hbm>>) target_semaphore(%arg13 : memref<!tpu.dma_semaphore, #tpu.memory_space<semaphore_mem>>)
      %dma_wait3A_135 = arith.constant 0 : i32
      %dma_wait3A_136 = tpu.memref_slice %arg4[%mul3A_2, %dma_wait3A_135] : memref<8192x8192xf32, #tpu.memory_space<hbm>> -> memref<4x8192xf32, #tpu.memory_space<hbm>>
      %dma_wait3A_137 = arith.constant 0 : i32
      %dma_wait3A_138 = tpu.memref_slice %arg4[%mul3A_2, %dma_wait3A_137] : memref<8192x8192xf32, #tpu.memory_space<hbm>> -> memref<4x8192xf32, #tpu.memory_space<hbm>>
      tpu.wait_dma2 semaphore(%arg12 : memref<!tpu.dma_semaphore, #tpu.memory_space<semaphore_mem>>) src(%arg6 : memref<4x8192xf32, #tpu.memory_space<vmem>>) dst(%dma_wait3A_138 : memref<4x8192xf32, #tpu.memory_space<hbm>>)
      %add3A_139 = arith.constant 3 : i32
      %add3A_140 = arith.addi %add3A_104, %add3A_139 : i32
      %dma_start3A_141 = arith.constant 0 : i32
      %dma_start3A_142 = tpu.memref_slice %arg5[%add3A_140, %dma_start3A_141] : memref<64x4xi32, #tpu.memory_space<vmem>> -> memref<1x4xi32, #tpu.memory_space<vmem>>
      %dma_start3A_143 = tpu.memref_squeeze %dma_start3A_142 : memref<1x4xi32, #tpu.memory_space<vmem>> -> memref<4xi32, #tpu.memory_space<vmem>>
      %dma_start3A_144 = arith.constant 0 : i32
      %dma_start3A_145 = arith.constant 0 : i32
      %dma_start3A_146 = tpu.memref_slice %arg2[%dma_start3A_144, %dma_start3A_145] : memref<8192x8192xf32, #tpu.memory_space<hbm>> -> memref<8192x8192xf32, #tpu.memory_space<hbm>>
      tpu.enqueue_indirect_dma source(%dma_start3A_146 : memref<8192x8192xf32, #tpu.memory_space<hbm>>) target(%arg6 : memref<4x8192xf32, #tpu.memory_space<vmem>>) offsets(%dma_start3A_143 : memref<4xi32, #tpu.memory_space<vmem>>) semaphore(%arg9 : memref<!tpu.dma_semaphore, #tpu.memory_space<semaphore_mem>>)
      %dma_wait3A_147 = arith.constant 0 : i32
      %dma_wait3A_148 = arith.constant 0 : i32
      %dma_wait3A_149 = tpu.memref_slice %arg2[%dma_wait3A_147, %dma_wait3A_148] : memref<8192x8192xf32, #tpu.memory_space<hbm>> -> memref<4x8192xf32, #tpu.memory_space<hbm>>
      %dma_wait3A_150 = arith.constant 0 : i32
      %dma_wait3A_151 = arith.constant 0 : i32
      %dma_wait3A_152 = tpu.memref_slice %arg2[%dma_wait3A_150, %dma_wait3A_151] : memref<8192x8192xf32, #tpu.memory_space<hbm>> -> memref<4x8192xf32, #tpu.memory_space<hbm>>
      tpu.wait_dma2 semaphore(%arg11 : memref<!tpu.dma_semaphore, #tpu.memory_space<semaphore_mem>>) src(%dma_wait3A_152 : memref<4x8192xf32, #tpu.memory_space<hbm>>) dst(%arg8 : memref<4x8192xf32, #tpu.memory_space<vmem>>)
      %add3A_153 = arith.constant 2 : i32
      %add3A_154 = arith.addi %add3A_104, %add3A_153 : i32
      %mul3A_155 = arith.constant 4 : i32
      %mul3A_156 = arith.muli %add3A_154, %mul3A_155 : i32
      %multiple_of3A_157 = tpu.assume_multiple %mul3A_156, 4 : i32
      %add3A_158 = arith.addi %mul3A_2, %multiple_of3A_157 : i32
      %dma_start3A_159 = arith.constant 0 : i32
      %dma_start3A_160 = tpu.memref_slice %arg4[%add3A_158, %dma_start3A_159] : memref<8192x8192xf32, #tpu.memory_space<hbm>> -> memref<4x8192xf32, #tpu.memory_space<hbm>>
      %dma_start3A_161 = arith.constant 0 : i32
      %dma_start3A_162 = tpu.memref_slice %arg4[%add3A_158, %dma_start3A_161] : memref<8192x8192xf32, #tpu.memory_space<hbm>> -> memref<4x8192xf32, #tpu.memory_space<hbm>>
      tpu.enqueue_dma source(%arg8 : memref<4x8192xf32, #tpu.memory_space<vmem>>) target(%dma_start3A_162 : memref<4x8192xf32, #tpu.memory_space<hbm>>) target_semaphore(%arg14 : memref<!tpu.dma_semaphore, #tpu.memory_space<semaphore_mem>>)
      %dma_wait3A_163 = arith.constant 0 : i32
      %dma_wait3A_164 = tpu.memref_slice %arg4[%mul3A_2, %dma_wait3A_163] : memref<8192x8192xf32, #tpu.memory_space<hbm>> -> memref<4x8192xf32, #tpu.memory_space<hbm>>
      %dma_wait3A_165 = arith.constant 0 : i32
      %dma_wait3A_166 = tpu.memref_slice %arg4[%mul3A_2, %dma_wait3A_165] : memref<8192x8192xf32, #tpu.memory_space<hbm>> -> memref<4x8192xf32, #tpu.memory_space<hbm>>
      tpu.wait_dma2 semaphore(%arg13 : memref<!tpu.dma_semaphore, #tpu.memory_space<semaphore_mem>>) src(%arg7 : memref<4x8192xf32, #tpu.memory_space<vmem>>) dst(%dma_wait3A_166 : memref<4x8192xf32, #tpu.memory_space<hbm>>)
      %add3A_167 = arith.constant 4 : i32
      %add3A_168 = arith.addi %add3A_104, %add3A_167 : i32
      %dma_start3A_169 = arith.constant 0 : i32
      %dma_start3A_170 = tpu.memref_slice %arg5[%add3A_168, %dma_start3A_169] : memref<64x4xi32, #tpu.memory_space<vmem>> -> memref<1x4xi32, #tpu.memory_space<vmem>>
      %dma_start3A_171 = tpu.memref_squeeze %dma_start3A_170 : memref<1x4xi32, #tpu.memory_space<vmem>> -> memref<4xi32, #tpu.memory_space<vmem>>
      %dma_start3A_172 = arith.constant 0 : i32
      %dma_start3A_173 = arith.constant 0 : i32
      %dma_start3A_174 = tpu.memref_slice %arg2[%dma_start3A_172, %dma_start3A_173] : memref<8192x8192xf32, #tpu.memory_space<hbm>> -> memref<8192x8192xf32, #tpu.memory_space<hbm>>
      tpu.enqueue_indirect_dma source(%dma_start3A_174 : memref<8192x8192xf32, #tpu.memory_space<hbm>>) target(%arg7 : memref<4x8192xf32, #tpu.memory_space<vmem>>) offsets(%dma_start3A_171 : memref<4xi32, #tpu.memory_space<vmem>>) semaphore(%arg10 : memref<!tpu.dma_semaphore, #tpu.memory_space<semaphore_mem>>)
      %dma_wait3A_175 = arith.constant 0 : i32
      %dma_wait3A_176 = tpu.memref_slice %arg4[%mul3A_2, %dma_wait3A_175] : memref<8192x8192xf32, #tpu.memory_space<hbm>> -> memref<4x8192xf32, #tpu.memory_space<hbm>>
      %dma_wait3A_177 = arith.constant 0 : i32
      %dma_wait3A_178 = tpu.memref_slice %arg4[%mul3A_2, %dma_wait3A_177] : memref<8192x8192xf32, #tpu.memory_space<hbm>> -> memref<4x8192xf32, #tpu.memory_space<hbm>>
      tpu.wait_dma2 semaphore(%arg14 : memref<!tpu.dma_semaphore, #tpu.memory_space<semaphore_mem>>) src(%arg8 : memref<4x8192xf32, #tpu.memory_space<vmem>>) dst(%dma_wait3A_178 : memref<4x8192xf32, #tpu.memory_space<hbm>>)
      %add3A_179 = arith.constant 5 : i32
      %add3A_180 = arith.addi %add3A_104, %add3A_179 : i32
      %dma_start3A_181 = arith.constant 0 : i32
      %dma_start3A_182 = tpu.memref_slice %arg5[%add3A_180, %dma_start3A_181] : memref<64x4xi32, #tpu.memory_space<vmem>> -> memref<1x4xi32, #tpu.memory_space<vmem>>
      %dma_start3A_183 = tpu.memref_squeeze %dma_start3A_182 : memref<1x4xi32, #tpu.memory_space<vmem>> -> memref<4xi32, #tpu.memory_space<vmem>>
      %dma_start3A_184 = arith.constant 0 : i32
      %dma_start3A_185 = arith.constant 0 : i32
      %dma_start3A_186 = tpu.memref_slice %arg2[%dma_start3A_184, %dma_start3A_185] : memref<8192x8192xf32, #tpu.memory_space<hbm>> -> memref<8192x8192xf32, #tpu.memory_space<hbm>>
      tpu.enqueue_indirect_dma source(%dma_start3A_186 : memref<8192x8192xf32, #tpu.memory_space<hbm>>) target(%arg8 : memref<4x8192xf32, #tpu.memory_space<vmem>>) offsets(%dma_start3A_183 : memref<4xi32, #tpu.memory_space<vmem>>) semaphore(%arg11 : memref<!tpu.dma_semaphore, #tpu.memory_space<semaphore_mem>>)
    }
    %scan3A_48 = arith.constant 20 : i32
    %dma_wait3A_49 = arith.constant 0 : i32
    %dma_wait3A_50 = arith.constant 0 : i32
    %dma_wait3A_51 = tpu.memref_slice %arg2[%dma_wait3A_49, %dma_wait3A_50] : memref<8192x8192xf32, #tpu.memory_space<hbm>> -> memref<4x8192xf32, #tpu.memory_space<hbm>>
    %dma_wait3A_52 = arith.constant 0 : i32
    %dma_wait3A_53 = arith.constant 0 : i32
    %dma_wait3A_54 = tpu.memref_slice %arg2[%dma_wait3A_52, %dma_wait3A_53] : memref<8192x8192xf32, #tpu.memory_space<hbm>> -> memref<4x8192xf32, #tpu.memory_space<hbm>>
    tpu.wait_dma2 semaphore(%arg9 : memref<!tpu.dma_semaphore, #tpu.memory_space<semaphore_mem>>) src(%dma_wait3A_54 : memref<4x8192xf32, #tpu.memory_space<hbm>>) dst(%arg6 : memref<4x8192xf32, #tpu.memory_space<vmem>>)
    %multiple_of3A_55 = arith.constant 244 : i32
    %multiple_of3A_56 = tpu.assume_multiple %multiple_of3A_55, 4 : i32
    %add3A_57 = arith.addi %mul3A_2, %multiple_of3A_56 : i32
    %dma_start3A_58 = arith.constant 0 : i32
    %dma_start3A_59 = tpu.memref_slice %arg4[%add3A_57, %dma_start3A_58] : memref<8192x8192xf32, #tpu.memory_space<hbm>> -> memref<4x8192xf32, #tpu.memory_space<hbm>>
    %dma_start3A_60 = arith.constant 0 : i32
    %dma_start3A_61 = tpu.memref_slice %arg4[%add3A_57, %dma_start3A_60] : memref<8192x8192xf32, #tpu.memory_space<hbm>> -> memref<4x8192xf32, #tpu.memory_space<hbm>>
    tpu.enqueue_dma source(%arg6 : memref<4x8192xf32, #tpu.memory_space<vmem>>) target(%dma_start3A_61 : memref<4x8192xf32, #tpu.memory_space<hbm>>) target_semaphore(%arg12 : memref<!tpu.dma_semaphore, #tpu.memory_space<semaphore_mem>>)
    %dma_wait3A_62 = arith.constant 0 : i32
    %dma_wait3A_63 = arith.constant 0 : i32
    %dma_wait3A_64 = tpu.memref_slice %arg2[%dma_wait3A_62, %dma_wait3A_63] : memref<8192x8192xf32, #tpu.memory_space<hbm>> -> memref<4x8192xf32, #tpu.memory_space<hbm>>
    %dma_wait3A_65 = arith.constant 0 : i32
    %dma_wait3A_66 = arith.constant 0 : i32
    %dma_wait3A_67 = tpu.memref_slice %arg2[%dma_wait3A_65, %dma_wait3A_66] : memref<8192x8192xf32, #tpu.memory_space<hbm>> -> memref<4x8192xf32, #tpu.memory_space<hbm>>
    tpu.wait_dma2 semaphore(%arg10 : memref<!tpu.dma_semaphore, #tpu.memory_space<semaphore_mem>>) src(%dma_wait3A_67 : memref<4x8192xf32, #tpu.memory_space<hbm>>) dst(%arg7 : memref<4x8192xf32, #tpu.memory_space<vmem>>)
    %multiple_of3A_68 = arith.constant 248 : i32
    %multiple_of3A_69 = tpu.assume_multiple %multiple_of3A_68, 4 : i32
    %add3A_70 = arith.addi %mul3A_2, %multiple_of3A_69 : i32
    %dma_start3A_71 = arith.constant 0 : i32
    %dma_start3A_72 = tpu.memref_slice %arg4[%add3A_70, %dma_start3A_71] : memref<8192x8192xf32, #tpu.memory_space<hbm>> -> memref<4x8192xf32, #tpu.memory_space<hbm>>
    %dma_start3A_73 = arith.constant 0 : i32
    %dma_start3A_74 = tpu.memref_slice %arg4[%add3A_70, %dma_start3A_73] : memref<8192x8192xf32, #tpu.memory_space<hbm>> -> memref<4x8192xf32, #tpu.memory_space<hbm>>
    tpu.enqueue_dma source(%arg7 : memref<4x8192xf32, #tpu.memory_space<vmem>>) target(%dma_start3A_74 : memref<4x8192xf32, #tpu.memory_space<hbm>>) target_semaphore(%arg13 : memref<!tpu.dma_semaphore, #tpu.memory_space<semaphore_mem>>)
    %dma_wait3A_75 = arith.constant 0 : i32
    %dma_wait3A_76 = arith.constant 0 : i32
    %dma_wait3A_77 = tpu.memref_slice %arg2[%dma_wait3A_75, %dma_wait3A_76] : memref<8192x8192xf32, #tpu.memory_space<hbm>> -> memref<4x8192xf32, #tpu.memory_space<hbm>>
    %dma_wait3A_78 = arith.constant 0 : i32
    %dma_wait3A_79 = arith.constant 0 : i32
    %dma_wait3A_80 = tpu.memref_slice %arg2[%dma_wait3A_78, %dma_wait3A_79] : memref<8192x8192xf32, #tpu.memory_space<hbm>> -> memref<4x8192xf32, #tpu.memory_space<hbm>>
    tpu.wait_dma2 semaphore(%arg11 : memref<!tpu.dma_semaphore, #tpu.memory_space<semaphore_mem>>) src(%dma_wait3A_80 : memref<4x8192xf32, #tpu.memory_space<hbm>>) dst(%arg8 : memref<4x8192xf32, #tpu.memory_space<vmem>>)
    %multiple_of3A_81 = arith.constant 252 : i32
    %multiple_of3A_82 = tpu.assume_multiple %multiple_of3A_81, 4 : i32
    %add3A_83 = arith.addi %mul3A_2, %multiple_of3A_82 : i32
    %dma_start3A_84 = arith.constant 0 : i32
    %dma_start3A_85 = tpu.memref_slice %arg4[%add3A_83, %dma_start3A_84] : memref<8192x8192xf32, #tpu.memory_space<hbm>> -> memref<4x8192xf32, #tpu.memory_space<hbm>>
    %dma_start3A_86 = arith.constant 0 : i32
    %dma_start3A_87 = tpu.memref_slice %arg4[%add3A_83, %dma_start3A_86] : memref<8192x8192xf32, #tpu.memory_space<hbm>> -> memref<4x8192xf32, #tpu.memory_space<hbm>>
    tpu.enqueue_dma source(%arg8 : memref<4x8192xf32, #tpu.memory_space<vmem>>) target(%dma_start3A_87 : memref<4x8192xf32, #tpu.memory_space<hbm>>) target_semaphore(%arg14 : memref<!tpu.dma_semaphore, #tpu.memory_space<semaphore_mem>>)
    %dma_wait3A_88 = arith.constant 0 : i32
    %dma_wait3A_89 = tpu.memref_slice %arg4[%mul3A_2, %dma_wait3A_88] : memref<8192x8192xf32, #tpu.memory_space<hbm>> -> memref<4x8192xf32, #tpu.memory_space<hbm>>
    %dma_wait3A_90 = arith.constant 0 : i32
    %dma_wait3A_91 = tpu.memref_slice %arg4[%mul3A_2, %dma_wait3A_90] : memref<8192x8192xf32, #tpu.memory_space<hbm>> -> memref<4x8192xf32, #tpu.memory_space<hbm>>
    tpu.wait_dma2 semaphore(%arg12 : memref<!tpu.dma_semaphore, #tpu.memory_space<semaphore_mem>>) src(%arg6 : memref<4x8192xf32, #tpu.memory_space<vmem>>) dst(%dma_wait3A_91 : memref<4x8192xf32, #tpu.memory_space<hbm>>)
    %dma_wait3A_92 = arith.constant 0 : i32
    %dma_wait3A_93 = tpu.memref_slice %arg4[%mul3A_2, %dma_wait3A_92] : memref<8192x8192xf32, #tpu.memory_space<hbm>> -> memref<4x8192xf32, #tpu.memory_space<hbm>>
    %dma_wait3A_94 = arith.constant 0 : i32
    %dma_wait3A_95 = tpu.memref_slice %arg4[%mul3A_2, %dma_wait3A_94] : memref<8192x8192xf32, #tpu.memory_space<hbm>> -> memref<4x8192xf32, #tpu.memory_space<hbm>>
    tpu.wait_dma2 semaphore(%arg13 : memref<!tpu.dma_semaphore, #tpu.memory_space<semaphore_mem>>) src(%arg7 : memref<4x8192xf32, #tpu.memory_space<vmem>>) dst(%dma_wait3A_95 : memref<4x8192xf32, #tpu.memory_space<hbm>>)
    %dma_wait3A_96 = arith.constant 0 : i32
    %dma_wait3A_97 = tpu.memref_slice %arg4[%mul3A_2, %dma_wait3A_96] : memref<8192x8192xf32, #tpu.memory_space<hbm>> -> memref<4x8192xf32, #tpu.memory_space<hbm>>
    %dma_wait3A_98 = arith.constant 0 : i32
    %dma_wait3A_99 = tpu.memref_slice %arg4[%mul3A_2, %dma_wait3A_98] : memref<8192x8192xf32, #tpu.memory_space<hbm>> -> memref<4x8192xf32, #tpu.memory_space<hbm>>
    tpu.wait_dma2 semaphore(%arg14 : memref<!tpu.dma_semaphore, #tpu.memory_space<semaphore_mem>>) src(%arg8 : memref<4x8192xf32, #tpu.memory_space<vmem>>) dst(%dma_wait3A_99 : memref<4x8192xf32, #tpu.memory_space<hbm>>)
    return
  }
}

</mosaic_0001>

<sc_bundles>
// kernel: _gather.3.cloned.1.call-start
scs
__scs_entry_jumppad:
0x0: {  	(pc) =	sbr.rel $0x88, $3  }
0x1: {  	(tag) =	ssettag $0x0;
	lr =	simm.s32 $0x1  }
0x2: {  	[smem:$0x3F9F] =	sst lr;
	_ =	strace $0xD0000000  }
0x3: {  	_ = 	snop  }
0x4: {  	_ = 	snop  }
0x5: {  	_ = 	snop  }
0x6: {  	_ = 	snop  }
0x7: {  	_ = 	snop  }
__scs_overlays_trampoline_lowered:
0x8: {  	[smem:$0x3FAE] =	sst s0  }
0x9: {  	[smem:$0x3FAF] =	sst s1  }
0xa: {  	[smem:$0x3FB0] =	sst s2  }
0xb: {  	[smem:$0x3FB1] =	sst s3  }
0xc: {  	[smem:$0x3FB2] =	sst s4  }
0xd: {  	[smem:$0x3FB3] =	sst s5  }
0xe: {  	[smem:$0x3FB4] =	sst s6  }
0xf: {  	[smem:$0x3FB5] =	sst s7  }
0x10: {  	[smem:$0x3FB6] =	sst s8  }
0x11: {  	[smem:$0x3FB7] =	sst s9;
	s0 =	simm.s32 @!p0 $0x0  }
0x12: {  	s1 =	sld [smem:$0x3F9D];
	s0 =	simm.s32 @p0 $0x1  }
0x13: {  	[smem:$0x3FB8] =	sst s0;
	s0 =	simm.s32 @!p1 $0x0  }
0x14: {  	s2 =	sld [smem:$0x3F9C];
	s0 =	simm.s32 @p1 $0x1  }
0x15: {  	[smem:$0x3FB9] =	sst s0;
	s0 =	simm.s32 @!p2 $0x0  }
0x16: {  	s3 =	sld [smem:$0x3FDB];
	s0 =	simm.s32 @p2 $0x1  }
0x17: {  	s4 =	simm.s32 $0x1BF5;
	[smem:$0x3FBB] =	sst s0  }
0x18: {  	s0 =	sld [smem:$0x3F9E];
	_ =	swait.ge [sflag:s4], $0x0  }
0x19: {  	s7 =	sld [smem:$0x3F9F]  }
0x1a: {  	s8 =	sadd.s32 $0xFFFFE003, lr  }
0x1b: {  	s9 =	sadd.s32 $0xFFFFFEF7, lr;
	s5 =	simm.s32 $0xFFFFFFFF;
	p2 =	slt.u32 s8, $0xFFFFF086  }
0x1c: {  	p1 =	slt.u32 s9, $0xF7A;
	s5 =	simm.s32 @!p2 $0x0  }
0x1d: {  	s5 =	simm.s32 @p1 $0x1;
	p0 =	seq.s32 s7, s2  }
0x1e: {  	s7 =	smul.u32 @!p0 $0xF7A, s2;
	p2 =	seq.s32 @!p0 s5, $0x0  }
0x1f: {  	s9 =	smul.u32 $0xF7A, s1;
	s8 =	simm.s32 @!p0 $0x1BF5;
	p2 =	por !p2, p0  }
0x20: {  	[sflag:s8] =	ssyncset.s32 @!p0 $0xFFFFF086;
	s6 =	sadd.s32 @!p0 s3, s7;
	s7 =	simm.s32 @!p0 $0x108  }
0x21: {  	s3 =	sadd.s32 s3, s9;
	s6 =	sadd.s32 @!p0 $0x88, s6;
	s7 =	simm.s32 @p2 $0x1082  }
0x22: {  	[simem:s7], [sflag:s8] =	dma.local @!p0 [hbm:s6], $0xF7A  }
0x23: {  	s9 =	sor.u32 $0xD0000000, s2;
	s6 =	simm.s32 $0x108;
	_ =	swait.ge @!p0 [sflag:s8], $0x0  }
0x24: {  	s3 =	sadd.s32 $0x88, s3;
	s6 =	simm.s32 @!p1 $0x1082;
	[sflag:s4] =	ssyncset.s32 $0xFFFFF086  }
0x25: {  	[simem:s6], [sflag:s4] =	dma.local [hbm:s3], $0xF7A  }
0x26: {  	[smem:$0x3F9F] =	sst s1;
	(tag) =	ssettag s2;
	_ =	strace s9  }
0x27: {  	s1 =	sld [smem:$0x3FAF]  }
0x28: {  	s2 =	sld [smem:$0x3FB0]  }
0x29: {  	s4 =	sld [smem:$0x3FB2]  }
0x2a: {  	p0 =	seq.s32 s5, $0x0;
	s5 =	sld [smem:$0x3FB3]  }
0x2b: {  	s6 =	sld [smem:$0x3FB4]  }
0x2c: {  	s7 =	sld [smem:$0x3FB5]  }
0x2d: {  	s3 =	simm.s32 $0x108;
	s8 =	sld [smem:$0x3FB6]  }
0x2e: {  	s3 =	simm.s32 @!p0 $0x1082;
	s9 =	sld [smem:$0x3FB7]  }
0x2f: {  	lr =	sadd.s32 s0, s3;
	s0 =	sld [smem:$0x3FAE]  }
0x30: {  	s3 =	sld [smem:$0x3FB1]  }
0x31: {  	[smem:$0x3FBA] =	sst s10  }
0x32: {  	s10 =	sld [smem:$0x3FB8];
	_ =	sdelay $0x3  }
0x33: {  	p0 =	seq.s32 s10, $0x1;
	s10 =	sld [smem:$0x3FBA];
	_ =	sdelay $0x3  }
0x34: {  	[smem:$0x3FBA] =	sst s10  }
0x35: {  	s10 =	sld [smem:$0x3FB9];
	_ =	sdelay $0x3  }
0x36: {  	p1 =	seq.s32 s10, $0x1;
	s10 =	sld [smem:$0x3FBA];
	_ =	sdelay $0x3  }
0x37: {  	[smem:$0x3FBA] =	sst s10  }
0x38: {  	s10 =	sld [smem:$0x3FBB]  }
0x39: {  	_ = 	snop;
	(pc) =	sbr.ind lr, $3  }
0x3a: {  	_ = 	snop  }
0x3b: {  	_ = 	snop  }
0x3c: {  	p2 =	seq.s32 s10, $0x1;
	s10 =	sld [smem:$0x3FBA]  }
0x3d: {  	_ =	shalt  }
0x3e: {  	_ =	shalt  }
0x3f: {  	_ =	shalt  }
0x40: {  	_ =	shalt  }
0x41: {  	_ =	shalt  }
0x42: {  	_ =	shalt  }
0x43: {  	_ =	shalt  }
0x44: {  	_ =	shalt  }
0x45: {  	_ =	shalt  }
0x46: {  	_ =	shalt  }
0x47: {  	_ =	shalt  }
0x48: {  	_ =	shalt  }
0x49: {  	_ =	shalt  }
0x4a: {  	_ =	shalt  }
0x4b: {  	_ =	shalt  }
0x4c: {  	_ =	shalt  }
0x4d: {  	_ =	shalt  }
0x4e: {  	_ =	shalt  }
0x4f: {  	_ =	shalt  }
0x50: {  	_ =	shalt  }
0x51: {  	_ =	shalt  }
0x52: {  	_ =	shalt  }
0x53: {  	_ =	shalt  }
0x54: {  	_ =	shalt  }
0x55: {  	_ =	shalt  }
0x56: {  	_ =	shalt  }
0x57: {  	_ =	shalt  }
0x58: {  	_ =	shalt  }
0x59: {  	_ =	shalt  }
0x5a: {  	_ =	shalt  }
0x5b: {  	_ =	shalt  }
0x5c: {  	_ =	shalt  }
0x5d: {  	_ =	shalt  }
0x5e: {  	_ =	shalt  }
0x5f: {  	_ =	shalt  }
0x60: {  	_ =	shalt  }
0x61: {  	_ =	shalt  }
0x62: {  	_ =	shalt  }
0x63: {  	_ =	shalt  }
0x64: {  	_ =	shalt  }
0x65: {  	_ =	shalt  }
0x66: {  	_ =	shalt  }
0x67: {  	_ =	shalt  }
0x68: {  	_ =	shalt  }
0x69: {  	_ =	shalt  }
0x6a: {  	_ =	shalt  }
0x6b: {  	_ =	shalt  }
0x6c: {  	_ =	shalt  }
0x6d: {  	_ =	shalt  }
0x6e: {  	_ =	shalt  }
0x6f: {  	_ =	shalt  }
0x70: {  	_ =	shalt  }
0x71: {  	_ =	shalt  }
0x72: {  	_ =	shalt  }
0x73: {  	_ =	shalt  }
0x74: {  	_ =	shalt  }
0x75: {  	_ =	shalt  }
0x76: {  	_ =	shalt  }
0x77: {  	_ =	shalt  }
0x78: {  	_ =	shalt  }
0x79: {  	_ =	shalt  }
0x7a: {  	_ =	shalt  }
0x7b: {  	_ =	shalt  }
0x7c: {  	_ =	shalt  }
0x7d: {  	_ =	shalt  }
0x7e: {  	_ =	shalt  }
0x7f: {  	_ =	shalt  }
0x80: {  	_ =	shalt  }
0x81: {  	_ =	shalt  }
0x82: {  	_ =	shalt  }
0x83: {  	_ =	shalt  }
0x84: {  	_ =	shalt  }
0x85: {  	_ =	shalt  }
0x86: {  	_ =	shalt  }
0x87: {  	_ =	shalt  }
.Lfunc_end0:
.L_simem_size_0:
called_computation_lowered:
.L_overlay_start_0:
0x88: {  	s2 =	sld [smem:$0x3FD9]  }
0x89: {  	s3 =	sld [smem:$0x3FFE];
	_ =	sdelay $0x1  }
0x8a: {  	s1 =	srdreg.scid  }
0x8b: {  	s0 =	sand.u32 $0x1, s1  }
0x8c: {  	s17 =	sshll.u32 s0, $0xA;
	s2 =	sadd.s32 s3, s2  }
0x8d: {  	s2 =	sadd.s32 s2, s17  }
0x8e: {  	[smem:$0x3FC6] =	sst s2  }
0x8f: {  	_ = 	snop  }
0x90: {  	s2 =	sld [smem:$0x3FC9]  }
0x91: {  	s18 =	sld [smem:$0x3FD0];
	(tm) =	ssettm $0x1  }
0x92: {  	s4 =	sld [smem:$0x3FFB];
	_ =	sdelay $0x3  }
0x93: {  	_ =	strace s4  }
0x94: {  	s4 =	sld [smem:$0x3FFC];
	_ =	sdelay $0x3  }
0x95: {  	_ =	strace s4  }
0x96: {  	s4 =	sld [smem:$0x3FFD];
	_ =	sdelay $0x3  }
0x97: {  	_ =	strace s4  }
0x98: {  	_ =	strace $0x8FFFFFFF  }
0x99: {  	s19 =	sld [smem:$0x3FDB];
	_ =	sdelay $0x1  }
0x9a: {  	s5 =	simm.s32 $_scs_section_size  }
0x9b: {  	s6 =	simm.s32 $_size__tile_overlayer_lowered;
	s7 =	simm.s32 $_tile_overlayer_lowered  }
0x9c: {  	s22 =	simm.s32 $0x1BFF;
	s21 =	sshll.u32 s7, $0x1;
	s4 =	sadd.s32 s5, s19  }
0x9d: {  	s8 =	simm.s32 $0x0;
	s20 =	sshll.u32 s6, $0x1;
	s6 =	sadd.s32 s21, s4  }
0x9e: {  	[timem:s8], [sflag:s22] =	dma.local [hbm:s6], s20  }
0x9f: {  	_ =	swait.ge [sflag:s22], s20  }
0xa0: {  	s5 =	ssub.s32 $0x0, s20;
	[sflag:s22] =	ssyncset.done $0x0  }
0xa1: {  	[sflag:s22] =	ssyncadd.s32 s5;
	_ =	sdelay $0x1  }
0xa2: {  	s23 =	simm.s32 $0x1B8B  }
0xa3: {  	_ =	swait.ge [sflag:s23], $0x1  }
0xa4: {  	[sflag:s23] =	ssyncset.done $0x0  }
0xa5: {  	s25 =	simm.s32 $0x1B8E;
	s24 =	sld [smem:$0x3FFE];
	[sflag:s23] =	ssyncadd.s32 $0xFFFFFFFF  }
0xa6: {  	s26 =	simm.s32 $execute0_lowered;
	[smem:$0x3FD2] =	sst s25  }
0xa7: {  	s6 =	sshll.u32 s26, $0x1;
	_ =	strace $0x80000046;
	[dreg:$0x1] =	wrdreg $0xFFFFFFFF  }
0xa8: {  	s28 =	simm.s32 $_size_execute0_lowered;
	s4 =	sadd.s32 s4, s6;
	[dreg:$0x0] =	wrdreg $0x0  }
0xa9: {  	s6 =	sshll.u32 s28, $0x1;
	[dreg:$0x2] =	wrdreg s4  }
0xaa: {  	[dreg:$0x3] =	wrdreg s6  }
0xab: {  	[dreg:$0x4] =	wrdreg $0xC0  }
0xac: {  	_ =	task [dreg:s8], $0x5FFFF  }
0xad: {  	[dreg:$0x1] =	wrdreg $0xFFFFFFFF  }
0xae: {  	[dreg:$0x0] =	wrdreg $0x60  }
0xaf: {  	[dreg:$0x2] =	wrdreg s2  }
0xb0: {  	[dreg:$0x3] =	wrdreg s24  }
0xb1: {  	[dreg:$0x4] =	wrdreg s18  }
0xb2: {  	[dreg:$0x5] =	wrdreg $0x9  }
0xb3: {  	_ =	task.clear_ibuf [dreg:s8], $0x6FFFF;
	_ =	strace $0x90000046  }
0xb4: {  	s29 =	simm.s32 $0x9;
	_ =	strace $0x80000048  }
0xb5: {  	_ =	swait.ge [sflag:s29], $0x1  }
0xb6: {  	[sflag:s29] =	ssyncadd.s32 $0xFFFFFFFF  }
0xb7: {  	_ =	strace $0x90000048  }
0xb8: {  	_ =	sfence  }
0xb9: {  	s30 =	sld [smem:$0x0];
	_ =	sdelay $0x2  }
0xba: {  	s31 =	sshll.u32 s1, $0xD;
	s1 =	sshrl.u32 s1, $0x2  }
0xbb: {  	s3 =	sand.u32 $0x4000, s31;
	s1 =	sadd.s32 s1, s30  }
0xbc: {  	s0 =	sor.u32 s3, s0;
	s1 =	sshll.u32 s1, $0x11  }
0xbd: {  	s0 =	sor.u32 s1, s0  }
0xbe: {  	s0 =	sadd.s32 $0x8F2B, s0  }
0xbf: {  	[sflag:s0] =	ssyncadd.remote.s32 $0x1  }
0xc0: {  	_ =	sfence.sel $0xFFFF  }
0xc1: {  	[dreg:$0x0] =	wrdreg $0xFFFFFFFF;
	(pc) =	sbr.abs _section_cstart, $3  }
0xc2: {  	[dreg:$0x1] =	wrdreg $0xFFFFFFFF  }
0xc3: {  	_ =	task.clear_ibuf [dreg:s8], $0x2FFFF;
	_ =	strace $0x9FFFFFFF  }
0xc4: {  	(tm) =	ssettm $0x7FFFFFFF  }
0xc5: {  	_ =	shalt  }
tec
execute0_lowered:
.L_overlay_start_1:
0x0: {  	(tag) =	ssettag $0x1  }
0x1: {  	s3 =	rddreg [dreg:$0x0]  }
0x2: {  	s0 =	rddreg [dreg:$0x1]  }
0x3: {  	s25 =	rddreg [dreg:$0x2]  }
0x4: {  	s1 =	srdreg.scid;
	s2 =	stileid.u32;
	s4 =	simm.s32 $0x0  }
0x5: {  	s28 =	simm.s32 $0x14000;
	s29 =	simm.s32 $0x14800;
	s31 =	simm.s32 $0x2000  }
0x6: {  	s30 =	simm.s32 $0xA000;
	s1 =	sand.u32 $0x1, s1;
	s5 =	sshll.u32 s2, $0x1  }
0x7: {  	[smem:$0x7FF] =	sst s4;
	s9 =	sadd.s32 $0x800, s3;
	s10 =	sadd.s32 $0xA00, s3  }
0x8: {  	s11 =	sadd.s32 $0xC00, s3;
	s12 =	sadd.s32 $0xE00, s3;
	s13 =	sadd.s32 $0x1000, s3  }
0x9: {  	s14 =	sadd.s32 $0x1200, s3;
	s15 =	sadd.s32 $0x1400, s3;
	s16 =	sadd.s32 $0x1600, s3  }
0xa: {  	s17 =	sadd.s32 $0x1800, s3;
	s18 =	sadd.s32 $0x1A00, s3;
	s19 =	sadd.s32 $0x1C00, s3  }
0xb: {  	s24 =	sshll.u32 s2, $0x13;
	s20 =	sadd.s32 $0x1E00, s3;
	s2 =	simm.s32 $0x13800  }
0xc: {  	s5 =	sor.u32 s1, s5;
	s6 =	ssub.s32 $0x2, s1;
	_ =	strace $0x80000047  }
0xd: {  	s1 =	sshll.u32 s1, $0x12;
	s7 =	sshll.u32 s5, $0xA;
	s8 =	sshrl.u32 s6, $0x1  }
0xe: {  	s23 =	sshll.u32 s5, $0x12;
	s5 =	sor.u32 s1, s24;
	s0 =	sadd.s32 s7, s0  }
0xf: {  	s21 =	ssub.s32 s6, s8;
	s26 =	sadd.s32 s25, s23;
	[dreg:$0x4] =	wrdreg s5  }
0x10: {  	s6 =	sadd.s32 $0x200, s3;
	s0 =	sadd.s32 $0x400, s0;
	[dreg:$0x6] =	wrdreg s26  }
0x11: {  	s7 =	sadd.s32 $0x400, s3;
	s22 =	sadd.s32 $0x3C040, s26;
	[dreg:$0x5] =	wrdreg s0  }
0x12: {  	s8 =	sadd.s32 $0x600, s3;
	s23 =	sadd.s32 $0x3E000, s26;
	[dreg:$0x7] =	wrdreg s22  }
0x13: {  	s5 =	simm.s32 $0x12800;
	s24 =	sadd.s32 $0x3E040, s26;
	[dreg:$0x8] =	wrdreg s23  }
0x14: {  	v0 =	vlaneseq.u32;
	s26 =	smax.u32 s21, $0x1;
	s21 =	simm.s32 $0x2800;
	[dreg:$0x9] =	wrdreg s24  }
0x15: {  	v1 =	vshrl.u32 v0, $0x2;
	[dreg:$0xa] =	wrdreg s26;
	s0 =	simm.s32 $0x13000;
	s22 =	simm.s32 $0x200  }
0x16: {  	vm0 =	vmmov $0xffff;
	v0 =	vand.u32 $0x3, v0;
	v1 =	vmul.u32 $0x8, v1;
	s26 =	simm.s32 $0x400;
	s24 =	simm.s32 $0xA800;
	s23 =	simm.s32 $0x0  }
.LBB2_1:
0x17: {  	[dreg:$0xb] =	wrdreg s23  }
0x18: {  	s1 =	rddreg [dreg:$0x5];
	s23 =	simm.s32 $0x7  }
0x19: {  	[tilespmem:s4], [sflag:$0x7] =	stream.linear.gather [hbm4b:s1+s4], $0x2000, $0x38;
	[tilespmem:$0x1A000] =	vst v63  }
0x1a: {  	_ =	swait.ge [sflag:s23], $0x2000  }
0x1b: {  	[sflag:s23] =	ssyncset.done $0x0  }
0x1c: {  	[sflag:s23] =	ssyncadd.s32 $0xFFFFE000  }
0x1d: {  	v2 =	vld.msk [tilespmem:$0x0], $0xf;
	_ =	sdelay $0x4  }
0x1e: {  	v3 =	vshll.u32 v2, $0x6  }
0x1f: {  	v2 =	vand.u32 $0x7, v2;
	v3 =	vand.u32 $0xFFFFFE00, v3  }
0x20: {  	v2 =	vor.u32 v2, v3  }
0x21: {  	v2 =	vperm.xlane v2, v0;
	_ =	sdelay $0x1  }
0x22: {  	v2 =	vadd.s32 v1, v2;
	_ =	sdelay $0x3  }
0x23: {  	s23 =	simm.s32 $0x12000  }
0x24: {  	[tilespmem:s23], [sflag:$0x3] =	stream.indirect_vreg.gather [hbm4b:s3+s4], $0x80, v2, vm0, $0xb8;
	[tilespmem:$0x1A000] =	vst v63  }
0x25: {  	_ = 	snop  }
0x26: {  	[tilespmem:s5], [sflag:$0x3] =	stream.indirect_vreg.gather [hbm4b:s6+s4], $0x80, v2, vm0, $0xb8;
	[tilespmem:$0x1A000] =	vst v63  }
0x27: {  	_ = 	snop  }
0x28: {  	[tilespmem:s0], [sflag:$0x3] =	stream.indirect_vreg.gather [hbm4b:s7+s4], $0x80, v2, vm0, $0xb8;
	[tilespmem:$0x1A000] =	vst v63  }
0x29: {  	_ = 	snop  }
0x2a: {  	[tilespmem:s2], [sflag:$0x3] =	stream.indirect_vreg.gather [hbm4b:s8+s4], $0x80, v2, vm0, $0xb8;
	[tilespmem:$0x1A000] =	vst v63  }
0x2b: {  	_ = 	snop  }
0x2c: {  	[tilespmem:s28], [sflag:$0x3] =	stream.indirect_vreg.gather [hbm4b:s9+s4], $0x80, v2, vm0, $0xb8;
	[tilespmem:$0x1A000] =	vst v63  }
0x2d: {  	_ = 	snop  }
0x2e: {  	[tilespmem:s29], [sflag:$0x3] =	stream.indirect_vreg.gather [hbm4b:s10+s4], $0x80, v2, vm0, $0xb8;
	[tilespmem:$0x1A000] =	vst v63  }
0x2f: {  	s1 =	simm.s32 $0x15000  }
0x30: {  	[tilespmem:s1], [sflag:$0x3] =	stream.indirect_vreg.gather [hbm4b:s11+s4], $0x80, v2, vm0, $0xb8;
	[tilespmem:$0x1A000] =	vst v63  }
0x31: {  	s1 =	simm.s32 $0x15800  }
0x32: {  	[tilespmem:s1], [sflag:$0x3] =	stream.indirect_vreg.gather [hbm4b:s12+s4], $0x80, v2, vm0, $0xb8;
	[tilespmem:$0x1A000] =	vst v63  }
0x33: {  	s1 =	simm.s32 $0x16000  }
0x34: {  	[tilespmem:s1], [sflag:$0x3] =	stream.indirect_vreg.gather [hbm4b:s13+s4], $0x80, v2, vm0, $0xb8;
	[tilespmem:$0x1A000] =	vst v63  }
0x35: {  	s1 =	simm.s32 $0x16800  }
0x36: {  	[tilespmem:s1], [sflag:$0x3] =	stream.indirect_vreg.gather [hbm4b:s14+s4], $0x80, v2, vm0, $0xb8;
	[tilespmem:$0x1A000] =	vst v63  }
0x37: {  	s1 =	simm.s32 $0x17000  }
0x38: {  	[tilespmem:s1], [sflag:$0x3] =	stream.indirect_vreg.gather [hbm4b:s15+s4], $0x80, v2, vm0, $0xb8;
	[tilespmem:$0x1A000] =	vst v63  }
0x39: {  	s1 =	simm.s32 $0x17800  }
0x3a: {  	[tilespmem:s1], [sflag:$0x3] =	stream.indirect_vreg.gather [hbm4b:s16+s4], $0x80, v2, vm0, $0xb8;
	[tilespmem:$0x1A000] =	vst v63  }
0x3b: {  	s1 =	simm.s32 $0x18000  }
0x3c: {  	[tilespmem:s1], [sflag:$0x3] =	stream.indirect_vreg.gather [hbm4b:s17+s4], $0x80, v2, vm0, $0xb8;
	[tilespmem:$0x1A000] =	vst v63  }
0x3d: {  	s1 =	simm.s32 $0x18800  }
0x3e: {  	[tilespmem:s1], [sflag:$0x3] =	stream.indirect_vreg.gather [hbm4b:s18+s4], $0x80, v2, vm0, $0xb8;
	[tilespmem:$0x1A000] =	vst v63  }
0x3f: {  	s1 =	simm.s32 $0x19000  }
0x40: {  	[tilespmem:s1], [sflag:$0x3] =	stream.indirect_vreg.gather [hbm4b:s19+s4], $0x80, v2, vm0, $0xb8;
	[tilespmem:$0x1A000] =	vst v63  }
0x41: {  	s1 =	simm.s32 $0x19800  }
0x42: {  	[tilespmem:s1], [sflag:$0x3] =	stream.indirect_vreg.gather [hbm4b:s20+s4], $0x80, v2, vm0, $0xb8;
	[tilespmem:$0x1A000] =	vst v63  }
0x43: {  	s1 =	simm.s32 $0x3  }
0x44: {  	_ =	swait.ge [sflag:s1], $0x8000  }
0x45: {  	[sflag:s1] =	ssyncset.done $0x0  }
0x46: {  	s23 =	simm.s32 $0x12000;
	s0 =	rddreg [dreg:$0x6];
	[sflag:s1] =	ssyncadd.s32 $0xFFFF8000  }
0x47: {  	[hbm4b:s0+s22] =	stream.strided.scatter [tilespmem:s23], [sflag:$0x6], $0x8000, s26, s22, $0x38;
	[tilespmem:$0x1A000] =	vst v63  }
0x48: {  	v2 =	vld.msk [tilespmem:$0x80], $0xf;
	_ =	sdelay $0x4  }
0x49: {  	v3 =	vshll.u32 v2, $0x6  }
0x4a: {  	v2 =	vand.u32 $0x7, v2;
	v3 =	vand.u32 $0xFFFFFE00, v3  }
0x4b: {  	v2 =	vor.u32 v2, v3  }
0x4c: {  	v2 =	vperm.xlane v2, v0;
	_ =	sdelay $0x1  }
0x4d: {  	v2 =	vadd.s32 v1, v2;
	_ =	sdelay $0x4  }
0x4e: {  	[tilespmem:s31], [sflag:$0x1] =	stream.indirect_vreg.gather [hbm4b:s3+s4], $0x80, v2, vm0, $0xb8;
	[tilespmem:$0x1A000] =	vst v63  }
0x4f: {  	_ = 	snop  }
0x50: {  	[tilespmem:s21], [sflag:$0x1] =	stream.indirect_vreg.gather [hbm4b:s6+s4], $0x80, v2, vm0, $0xb8;
	[tilespmem:$0x1A000] =	vst v63  }
0x51: {  	s1 =	simm.s32 $0x3000  }
0x52: {  	[tilespmem:s1], [sflag:$0x1] =	stream.indirect_vreg.gather [hbm4b:s7+s4], $0x80, v2, vm0, $0xb8;
	[tilespmem:$0x1A000] =	vst v63  }
0x53: {  	s21 =	simm.s32 $0x3800  }
0x54: {  	[tilespmem:s21], [sflag:$0x1] =	stream.indirect_vreg.gather [hbm4b:s8+s4], $0x80, v2, vm0, $0xb8;
	[tilespmem:$0x1A000] =	vst v63  }
0x55: {  	s22 =	simm.s32 $0x4000  }
0x56: {  	[tilespmem:s22], [sflag:$0x1] =	stream.indirect_vreg.gather [hbm4b:s9+s4], $0x80, v2, vm0, $0xb8;
	[tilespmem:$0x1A000] =	vst v63  }
0x57: {  	s26 =	simm.s32 $0x4800  }
0x58: {  	[tilespmem:s26], [sflag:$0x1] =	stream.indirect_vreg.gather [hbm4b:s10+s4], $0x80, v2, vm0, $0xb8;
	[tilespmem:$0x1A000] =	vst v63  }
0x59: {  	s31 =	simm.s32 $0x5000  }
0x5a: {  	[tilespmem:s31], [sflag:$0x1] =	stream.indirect_vreg.gather [hbm4b:s11+s4], $0x80, v2, vm0, $0xb8;
	[tilespmem:$0x1A000] =	vst v63  }
0x5b: {  	s1 =	simm.s32 $0x5800  }
0x5c: {  	[tilespmem:s1], [sflag:$0x1] =	stream.indirect_vreg.gather [hbm4b:s12+s4], $0x80, v2, vm0, $0xb8;
	[tilespmem:$0x1A000] =	vst v63  }
0x5d: {  	s21 =	simm.s32 $0x6000  }
0x5e: {  	[tilespmem:s21], [sflag:$0x1] =	stream.indirect_vreg.gather [hbm4b:s13+s4], $0x80, v2, vm0, $0xb8;
	[tilespmem:$0x1A000] =	vst v63  }
0x5f: {  	s22 =	simm.s32 $0x6800  }
0x60: {  	[tilespmem:s22], [sflag:$0x1] =	stream.indirect_vreg.gather [hbm4b:s14+s4], $0x80, v2, vm0, $0xb8;
	[tilespmem:$0x1A000] =	vst v63  }
0x61: {  	s26 =	simm.s32 $0x7000  }
0x62: {  	[tilespmem:s26], [sflag:$0x1] =	stream.indirect_vreg.gather [hbm4b:s15+s4], $0x80, v2, vm0, $0xb8;
	[tilespmem:$0x1A000] =	vst v63  }
0x63: {  	s31 =	simm.s32 $0x7800  }
0x64: {  	[tilespmem:s31], [sflag:$0x1] =	stream.indirect_vreg.gather [hbm4b:s16+s4], $0x80, v2, vm0, $0xb8;
	[tilespmem:$0x1A000] =	vst v63  }
0x65: {  	s1 =	simm.s32 $0x8000  }
0x66: {  	[tilespmem:s1], [sflag:$0x1] =	stream.indirect_vreg.gather [hbm4b:s17+s4], $0x80, v2, vm0, $0xb8;
	[tilespmem:$0x1A000] =	vst v63  }
0x67: {  	s21 =	simm.s32 $0x8800  }
0x68: {  	[tilespmem:s21], [sflag:$0x1] =	stream.indirect_vreg.gather [hbm4b:s18+s4], $0x80, v2, vm0, $0xb8;
	[tilespmem:$0x1A000] =	vst v63  }
0x69: {  	s22 =	simm.s32 $0x9000  }
0x6a: {  	[tilespmem:s22], [sflag:$0x1] =	stream.indirect_vreg.gather [hbm4b:s19+s4], $0x80, v2, vm0, $0xb8;
	[tilespmem:$0x1A000] =	vst v63  }
0x6b: {  	s26 =	simm.s32 $0x9800  }
0x6c: {  	[tilespmem:s26], [sflag:$0x1] =	stream.indirect_vreg.gather [hbm4b:s20+s4], $0x80, v2, vm0, $0xb8;
	[tilespmem:$0x1A000] =	vst v63  }
0x6d: {  	v2 =	vld.msk [tilespmem:$0x100], $0xf;
	_ =	sdelay $0x4  }
0x6e: {  	v3 =	vshll.u32 v2, $0x6  }
0x6f: {  	v2 =	vand.u32 $0x7, v2;
	v3 =	vand.u32 $0xFFFFFE00, v3  }
0x70: {  	v2 =	vor.u32 v2, v3  }
0x71: {  	v2 =	vperm.xlane v2, v0;
	_ =	sdelay $0x1  }
0x72: {  	v2 =	vadd.s32 v1, v2;
	_ =	sdelay $0x4  }
0x73: {  	[tilespmem:s30], [sflag:$0x2] =	stream.indirect_vreg.gather [hbm4b:s3+s4], $0x80, v2, vm0, $0xb8;
	[tilespmem:$0x1A000] =	vst v63  }
0x74: {  	_ = 	snop  }
0x75: {  	[tilespmem:s24], [sflag:$0x2] =	stream.indirect_vreg.gather [hbm4b:s6+s4], $0x80, v2, vm0, $0xb8;
	[tilespmem:$0x1A000] =	vst v63  }
0x76: {  	s30 =	simm.s32 $0xB000  }
0x77: {  	[tilespmem:s30], [sflag:$0x2] =	stream.indirect_vreg.gather [hbm4b:s7+s4], $0x80, v2, vm0, $0xb8;
	[tilespmem:$0x1A000] =	vst v63  }
0x78: {  	s31 =	simm.s32 $0xB800  }
0x79: {  	[tilespmem:s31], [sflag:$0x2] =	stream.indirect_vreg.gather [hbm4b:s8+s4], $0x80, v2, vm0, $0xb8;
	[tilespmem:$0x1A000] =	vst v63  }
0x7a: {  	s1 =	simm.s32 $0xC000  }
0x7b: {  	[tilespmem:s1], [sflag:$0x2] =	stream.indirect_vreg.gather [hbm4b:s9+s4], $0x80, v2, vm0, $0xb8;
	[tilespmem:$0x1A000] =	vst v63  }
0x7c: {  	s21 =	simm.s32 $0xC800  }
0x7d: {  	[tilespmem:s21], [sflag:$0x2] =	stream.indirect_vreg.gather [hbm4b:s10+s4], $0x80, v2, vm0, $0xb8;
	[tilespmem:$0x1A000] =	vst v63  }
0x7e: {  	s22 =	simm.s32 $0xD000  }
0x7f: {  	[tilespmem:s22], [sflag:$0x2] =	stream.indirect_vreg.gather [hbm4b:s11+s4], $0x80, v2, vm0, $0xb8;
	[tilespmem:$0x1A000] =	vst v63  }
0x80: {  	s24 =	simm.s32 $0xD800  }
0x81: {  	[tilespmem:s24], [sflag:$0x2] =	stream.indirect_vreg.gather [hbm4b:s12+s4], $0x80, v2, vm0, $0xb8;
	[tilespmem:$0x1A000] =	vst v63  }
0x82: {  	s26 =	simm.s32 $0xE000  }
0x83: {  	[tilespmem:s26], [sflag:$0x2] =	stream.indirect_vreg.gather [hbm4b:s13+s4], $0x80, v2, vm0, $0xb8;
	[tilespmem:$0x1A000] =	vst v63  }
0x84: {  	s30 =	simm.s32 $0xE800  }
0x85: {  	[tilespmem:s30], [sflag:$0x2] =	stream.indirect_vreg.gather [hbm4b:s14+s4], $0x80, v2, vm0, $0xb8;
	[tilespmem:$0x1A000] =	vst v63  }
0x86: {  	s31 =	simm.s32 $0xF000  }
0x87: {  	[tilespmem:s31], [sflag:$0x2] =	stream.indirect_vreg.gather [hbm4b:s15+s4], $0x80, v2, vm0, $0xb8;
	[tilespmem:$0x1A000] =	vst v63  }
0x88: {  	s1 =	simm.s32 $0xF800  }
0x89: {  	[tilespmem:s1], [sflag:$0x2] =	stream.indirect_vreg.gather [hbm4b:s16+s4], $0x80, v2, vm0, $0xb8;
	[tilespmem:$0x1A000] =	vst v63  }
0x8a: {  	s21 =	simm.s32 $0x10000  }
0x8b: {  	[tilespmem:s21], [sflag:$0x2] =	stream.indirect_vreg.gather [hbm4b:s17+s4], $0x80, v2, vm0, $0xb8;
	[tilespmem:$0x1A000] =	vst v63  }
0x8c: {  	s22 =	simm.s32 $0x10800  }
0x8d: {  	[tilespmem:s22], [sflag:$0x2] =	stream.indirect_vreg.gather [hbm4b:s18+s4], $0x80, v2, vm0, $0xb8;
	[tilespmem:$0x1A000] =	vst v63  }
0x8e: {  	s24 =	simm.s32 $0x11000  }
0x8f: {  	[tilespmem:s24], [sflag:$0x2] =	stream.indirect_vreg.gather [hbm4b:s19+s4], $0x80, v2, vm0, $0xb8;
	[tilespmem:$0x1A000] =	vst v63  }
0x90: {  	s26 =	simm.s32 $0x11800;
	s30 =	simm.s32 $0x6  }
0x91: {  	[tilespmem:s26], [sflag:$0x2] =	stream.indirect_vreg.gather [hbm4b:s20+s4], $0x80, v2, vm0, $0xb8;
	[tilespmem:$0x1A000] =	vst v63  }
0x92: {  	_ =	swait.ge [sflag:s30], $0x8000  }
0x93: {  	[sflag:s30] =	ssyncset.done $0x0  }
0x94: {  	[sflag:s30] =	ssyncadd.s32 $0xFFFF8000  }
0x95: {  	v2 =	vld.msk [tilespmem:$0x180], $0xf;
	_ =	sdelay $0x4  }
0x96: {  	v3 =	vshll.u32 v2, $0x6  }
0x97: {  	v2 =	vand.u32 $0x7, v2;
	v3 =	vand.u32 $0xFFFFFE00, v3  }
0x98: {  	v2 =	vor.u32 v2, v3  }
0x99: {  	v2 =	vperm.xlane v2, v0;
	_ =	sdelay $0x1  }
0x9a: {  	v2 =	vadd.s32 v1, v2;
	_ =	sdelay $0x4  }
0x9b: {  	[tilespmem:s23], [sflag:$0x3] =	stream.indirect_vreg.gather [hbm4b:s3+s4], $0x80, v2, vm0, $0xb8;
	[tilespmem:$0x1A000] =	vst v63  }
0x9c: {  	_ = 	snop  }
0x9d: {  	[tilespmem:s5], [sflag:$0x3] =	stream.indirect_vreg.gather [hbm4b:s6+s4], $0x80, v2, vm0, $0xb8;
	[tilespmem:$0x1A000] =	vst v63  }
0x9e: {  	s31 =	simm.s32 $0x13000  }
0x9f: {  	[tilespmem:s31], [sflag:$0x3] =	stream.indirect_vreg.gather [hbm4b:s7+s4], $0x80, v2, vm0, $0xb8;
	[tilespmem:$0x1A000] =	vst v63  }
0xa0: {  	_ = 	snop  }
0xa1: {  	[tilespmem:s2], [sflag:$0x3] =	stream.indirect_vreg.gather [hbm4b:s8+s4], $0x80, v2, vm0, $0xb8;
	[tilespmem:$0x1A000] =	vst v63  }
0xa2: {  	_ = 	snop  }
0xa3: {  	[tilespmem:s28], [sflag:$0x3] =	stream.indirect_vreg.gather [hbm4b:s9+s4], $0x80, v2, vm0, $0xb8;
	[tilespmem:$0x1A000] =	vst v63  }
0xa4: {  	_ = 	snop  }
0xa5: {  	[tilespmem:s29], [sflag:$0x3] =	stream.indirect_vreg.gather [hbm4b:s10+s4], $0x80, v2, vm0, $0xb8;
	[tilespmem:$0x1A000] =	vst v63  }
0xa6: {  	s1 =	simm.s32 $0x15000  }
0xa7: {  	[tilespmem:s1], [sflag:$0x3] =	stream.indirect_vreg.gather [hbm4b:s11+s4], $0x80, v2, vm0, $0xb8;
	[tilespmem:$0x1A000] =	vst v63  }
0xa8: {  	s2 =	simm.s32 $0x15800  }
0xa9: {  	[tilespmem:s2], [sflag:$0x3] =	stream.indirect_vreg.gather [hbm4b:s12+s4], $0x80, v2, vm0, $0xb8;
	[tilespmem:$0x1A000] =	vst v63  }
0xaa: {  	s5 =	simm.s32 $0x16000  }
0xab: {  	[tilespmem:s5], [sflag:$0x3] =	stream.indirect_vreg.gather [hbm4b:s13+s4], $0x80, v2, vm0, $0xb8;
	[tilespmem:$0x1A000] =	vst v63  }
0xac: {  	s21 =	simm.s32 $0x16800  }
0xad: {  	[tilespmem:s21], [sflag:$0x3] =	stream.indirect_vreg.gather [hbm4b:s14+s4], $0x80, v2, vm0, $0xb8;
	[tilespmem:$0x1A000] =	vst v63  }
0xae: {  	s22 =	simm.s32 $0x17000  }
0xaf: {  	[tilespmem:s22], [sflag:$0x3] =	stream.indirect_vreg.gather [hbm4b:s15+s4], $0x80, v2, vm0, $0xb8;
	[tilespmem:$0x1A000] =	vst v63  }
0xb0: {  	s23 =	simm.s32 $0x17800  }
0xb1: {  	[tilespmem:s23], [sflag:$0x3] =	stream.indirect_vreg.gather [hbm4b:s16+s4], $0x80, v2, vm0, $0xb8;
	[tilespmem:$0x1A000] =	vst v63  }
0xb2: {  	s24 =	simm.s32 $0x18000  }
0xb3: {  	[tilespmem:s24], [sflag:$0x3] =	stream.indirect_vreg.gather [hbm4b:s17+s4], $0x80, v2, vm0, $0xb8;
	[tilespmem:$0x1A000] =	vst v63  }
0xb4: {  	s26 =	simm.s32 $0x18800;
	s30 =	simm.s32 $0x19000;
	s31 =	simm.s32 $0x19800  }
0xb5: {  	[tilespmem:s26], [sflag:$0x3] =	stream.indirect_vreg.gather [hbm4b:s18+s4], $0x80, v2, vm0, $0xb8;
	[tilespmem:$0x1A000] =	vst v63  }
0xb6: {  	s28 =	simm.s32 $0x0;
	s29 =	simm.s32 $0x300;
	s1 =	smov.u32 s3  }
0xb7: {  	[tilespmem:s30], [sflag:$0x3] =	stream.indirect_vreg.gather [hbm4b:s19+s4], $0x80, v2, vm0, $0xb8;
	[tilespmem:$0x1A000] =	vst v63  }
0xb8: {  	s22 =	simm.s32 $0x0;
	s23 =	simm.s32 $0x2;
	s26 =	simm.s32 $0xC0  }
0xb9: {  	[tilespmem:s31], [sflag:$0x3] =	stream.indirect_vreg.gather [hbm4b:s20+s4], $0x80, v2, vm0, $0xb8;
	[tilespmem:$0x1A000] =	vst v63  }
.LBB2_2:
0xba: {  	s0 =	simm.s32 $0x1  }
0xbb: {  	_ =	swait.ge [sflag:s0], $0x8000  }
0xbc: {  	s5 =	smov.u32 s25;
	s3 =	sadd.s32 $0xFFFFFF80, s26;
	s2 =	rddreg [dreg:$0x4]  }
0xbd: {  	s21 =	simm.s32 $0x400;
	s30 =	simm.s32 $0x2000;
	s25 =	sadd.s32 s22, s2  }
0xbe: {  	s3 =	sand.u32 $0x40, s3;
	[sflag:s0] =	ssyncset.done $0x0;
	s2 =	sadd.s32 $0x1000, s25  }
0xbf: {  	s3 =	sadd.s32 s5, s3;
	[sflag:s0] =	ssyncadd.s32 $0xFFFF8000;
	s2 =	sand.u32 $0xFFFE000, s2  }
0xc0: {  	s0 =	simm.s32 $0x200;
	s2 =	sadd.s32 s2, s3;
	s3 =	sadd.s32 $0x2000, s25  }
0xc1: {  	[hbm4b:s2+s0] =	stream.strided.scatter [tilespmem:s30], [sflag:$0x4], $0x8000, s21, s0, $0x38;
	[tilespmem:$0x1A000] =	vst v63  }
0xc2: {  	s24 =	sand.u32 $0x40, s28;
	s2 =	sand.u32 $0xFFFE000, s3;
	_ =	swait.ge [sflag:s23], $0x8000  }
0xc3: {  	s3 =	sadd.s32 s5, s24;
	s24 =	simm.s32 $0xA000;
	[sflag:s23] =	ssyncset.done $0x0  }
0xc4: {  	s2 =	sadd.s32 s2, s3;
	s3 =	simm.s32 $0x4;
	[sflag:s23] =	ssyncadd.s32 $0xFFFF8000  }
0xc5: {  	[hbm4b:s2+s0] =	stream.strided.scatter [tilespmem:s24], [sflag:$0x5], $0x8000, s21, s0, $0x38;
	[tilespmem:$0x1A000] =	vst v63  }
0xc6: {  	_ =	swait.ge [sflag:s3], $0x8000  }
0xc7: {  	[sflag:s3] =	ssyncset.done $0x0  }
0xc8: {  	[sflag:s3] =	ssyncadd.s32 $0xFFFF8000  }
0xc9: {  	v2 =	vld.msk [tilespmem:s29+$0xFFFFFF00], $0xf;
	_ =	sdelay $0x4  }
0xca: {  	v3 =	vshll.u32 v2, $0x6  }
0xcb: {  	v2 =	vand.u32 $0x7, v2;
	v3 =	vand.u32 $0xFFFFFE00, v3  }
0xcc: {  	v2 =	vor.u32 v2, v3  }
0xcd: {  	v2 =	vperm.xlane v2, v0;
	_ =	sdelay $0x1  }
0xce: {  	v2 =	vadd.s32 v1, v2;
	_ =	sdelay $0x4  }
0xcf: {  	[tilespmem:s30], [sflag:$0x1] =	stream.indirect_vreg.gather [hbm4b:s1+s4], $0x80, v2, vm0, $0xb8;
	[tilespmem:$0x1A000] =	vst v63  }
0xd0: {  	s3 =	simm.s32 $0x2800  }
0xd1: {  	[tilespmem:s3], [sflag:$0x1] =	stream.indirect_vreg.gather [hbm4b:s6+s4], $0x80, v2, vm0, $0xb8;
	[tilespmem:$0x1A000] =	vst v63  }
0xd2: {  	s3 =	simm.s32 $0x3000  }
0xd3: {  	[tilespmem:s3], [sflag:$0x1] =	stream.indirect_vreg.gather [hbm4b:s7+s4], $0x80, v2, vm0, $0xb8;
	[tilespmem:$0x1A000] =	vst v63  }
0xd4: {  	s3 =	simm.s32 $0x3800  }
0xd5: {  	[tilespmem:s3], [sflag:$0x1] =	stream.indirect_vreg.gather [hbm4b:s8+s4], $0x80, v2, vm0, $0xb8;
	[tilespmem:$0x1A000] =	vst v63  }
0xd6: {  	s3 =	simm.s32 $0x4000  }
0xd7: {  	[tilespmem:s3], [sflag:$0x1] =	stream.indirect_vreg.gather [hbm4b:s9+s4], $0x80, v2, vm0, $0xb8;
	[tilespmem:$0x1A000] =	vst v63  }
0xd8: {  	s3 =	simm.s32 $0x4800  }
0xd9: {  	[tilespmem:s3], [sflag:$0x1] =	stream.indirect_vreg.gather [hbm4b:s10+s4], $0x80, v2, vm0, $0xb8;
	[tilespmem:$0x1A000] =	vst v63  }
0xda: {  	s3 =	simm.s32 $0x5000  }
0xdb: {  	[tilespmem:s3], [sflag:$0x1] =	stream.indirect_vreg.gather [hbm4b:s11+s4], $0x80, v2, vm0, $0xb8;
	[tilespmem:$0x1A000] =	vst v63  }
0xdc: {  	s3 =	simm.s32 $0x5800  }
0xdd: {  	[tilespmem:s3], [sflag:$0x1] =	stream.indirect_vreg.gather [hbm4b:s12+s4], $0x80, v2, vm0, $0xb8;
	[tilespmem:$0x1A000] =	vst v63  }
0xde: {  	s3 =	simm.s32 $0x6000  }
0xdf: {  	[tilespmem:s3], [sflag:$0x1] =	stream.indirect_vreg.gather [hbm4b:s13+s4], $0x80, v2, vm0, $0xb8;
	[tilespmem:$0x1A000] =	vst v63  }
0xe0: {  	s3 =	simm.s32 $0x6800  }
0xe1: {  	[tilespmem:s3], [sflag:$0x1] =	stream.indirect_vreg.gather [hbm4b:s14+s4], $0x80, v2, vm0, $0xb8;
	[tilespmem:$0x1A000] =	vst v63  }
0xe2: {  	s3 =	simm.s32 $0x7000  }
0xe3: {  	[tilespmem:s3], [sflag:$0x1] =	stream.indirect_vreg.gather [hbm4b:s15+s4], $0x80, v2, vm0, $0xb8;
	[tilespmem:$0x1A000] =	vst v63  }
0xe4: {  	s3 =	simm.s32 $0x7800  }
0xe5: {  	[tilespmem:s3], [sflag:$0x1] =	stream.indirect_vreg.gather [hbm4b:s16+s4], $0x80, v2, vm0, $0xb8;
	[tilespmem:$0x1A000] =	vst v63  }
0xe6: {  	s3 =	simm.s32 $0x8000  }
0xe7: {  	[tilespmem:s3], [sflag:$0x1] =	stream.indirect_vreg.gather [hbm4b:s17+s4], $0x80, v2, vm0, $0xb8;
	[tilespmem:$0x1A000] =	vst v63  }
0xe8: {  	s3 =	simm.s32 $0x8800  }
0xe9: {  	[tilespmem:s3], [sflag:$0x1] =	stream.indirect_vreg.gather [hbm4b:s18+s4], $0x80, v2, vm0, $0xb8;
	[tilespmem:$0x1A000] =	vst v63  }
0xea: {  	s3 =	simm.s32 $0x9000  }
0xeb: {  	[tilespmem:s3], [sflag:$0x1] =	stream.indirect_vreg.gather [hbm4b:s19+s4], $0x80, v2, vm0, $0xb8;
	[tilespmem:$0x1A000] =	vst v63  }
0xec: {  	s2 =	sadd.s32 $0x3000, s25;
	s30 =	simm.s32 $0x3;
	s3 =	simm.s32 $0x9800  }
0xed: {  	[tilespmem:s3], [sflag:$0x1] =	stream.indirect_vreg.gather [hbm4b:s20+s4], $0x80, v2, vm0, $0xb8;
	[tilespmem:$0x1A000] =	vst v63  }
0xee: {  	s25 =	smov.u32 s5;
	s3 =	sand.u32 $0x40, s26;
	_ =	swait.ge [sflag:s30], $0x8000  }
0xef: {  	s2 =	sand.u32 $0xFFFE000, s2;
	s3 =	sadd.s32 s5, s3;
	[sflag:s30] =	ssyncset.done $0x0  }
0xf0: {  	s5 =	simm.s32 $0x12000;
	s2 =	sadd.s32 s2, s3;
	[sflag:s30] =	ssyncadd.s32 $0xFFFF8000  }
0xf1: {  	[hbm4b:s2+s0] =	stream.strided.scatter [tilespmem:s5], [sflag:$0x6], $0x8000, s21, s0, $0x38;
	[tilespmem:$0x1A000] =	vst v63  }
0xf2: {  	s21 =	simm.s32 $0x5  }
0xf3: {  	_ =	swait.ge [sflag:s21], $0x8000  }
0xf4: {  	[sflag:s21] =	ssyncset.done $0x0  }
0xf5: {  	[sflag:s21] =	ssyncadd.s32 $0xFFFF8000  }
0xf6: {  	v2 =	vld.msk [tilespmem:s29+$0xFFFFFF80], $0xf;
	_ =	sdelay $0x4  }
0xf7: {  	v3 =	vshll.u32 v2, $0x6  }
0xf8: {  	v2 =	vand.u32 $0x7, v2;
	v3 =	vand.u32 $0xFFFFFE00, v3  }
0xf9: {  	v2 =	vor.u32 v2, v3  }
0xfa: {  	v2 =	vperm.xlane v2, v0;
	_ =	sdelay $0x1  }
0xfb: {  	v2 =	vadd.s32 v1, v2;
	_ =	sdelay $0x4  }
0xfc: {  	[tilespmem:s24], [sflag:$0x2] =	stream.indirect_vreg.gather [hbm4b:s1+s4], $0x80, v2, vm0, $0xb8;
	[tilespmem:$0x1A000] =	vst v63  }
0xfd: {  	s24 =	simm.s32 $0xA800  }
0xfe: {  	[tilespmem:s24], [sflag:$0x2] =	stream.indirect_vreg.gather [hbm4b:s6+s4], $0x80, v2, vm0, $0xb8;
	[tilespmem:$0x1A000] =	vst v63  }
0xff: {  	s2 =	simm.s32 $0xB000  }
0x100: {  	[tilespmem:s2], [sflag:$0x2] =	stream.indirect_vreg.gather [hbm4b:s7+s4], $0x80, v2, vm0, $0xb8;
	[tilespmem:$0x1A000] =	vst v63  }
0x101: {  	s3 =	simm.s32 $0xB800  }
0x102: {  	[tilespmem:s3], [sflag:$0x2] =	stream.indirect_vreg.gather [hbm4b:s8+s4], $0x80, v2, vm0, $0xb8;
	[tilespmem:$0x1A000] =	vst v63  }
0x103: {  	s21 =	simm.s32 $0xC000  }
0x104: {  	[tilespmem:s21], [sflag:$0x2] =	stream.indirect_vreg.gather [hbm4b:s9+s4], $0x80, v2, vm0, $0xb8;
	[tilespmem:$0x1A000] =	vst v63  }
0x105: {  	s2 =	simm.s32 $0xC800  }
0x106: {  	[tilespmem:s2], [sflag:$0x2] =	stream.indirect_vreg.gather [hbm4b:s10+s4], $0x80, v2, vm0, $0xb8;
	[tilespmem:$0x1A000] =	vst v63  }
0x107: {  	s3 =	simm.s32 $0xD000  }
0x108: {  	[tilespmem:s3], [sflag:$0x2] =	stream.indirect_vreg.gather [hbm4b:s11+s4], $0x80, v2, vm0, $0xb8;
	[tilespmem:$0x1A000] =	vst v63  }
0x109: {  	s21 =	simm.s32 $0xD800  }
0x10a: {  	[tilespmem:s21], [sflag:$0x2] =	stream.indirect_vreg.gather [hbm4b:s12+s4], $0x80, v2, vm0, $0xb8;
	[tilespmem:$0x1A000] =	vst v63  }
0x10b: {  	s2 =	simm.s32 $0xE000  }
0x10c: {  	[tilespmem:s2], [sflag:$0x2] =	stream.indirect_vreg.gather [hbm4b:s13+s4], $0x80, v2, vm0, $0xb8;
	[tilespmem:$0x1A000] =	vst v63  }
0x10d: {  	s3 =	simm.s32 $0xE800  }
0x10e: {  	[tilespmem:s3], [sflag:$0x2] =	stream.indirect_vreg.gather [hbm4b:s14+s4], $0x80, v2, vm0, $0xb8;
	[tilespmem:$0x1A000] =	vst v63  }
0x10f: {  	s21 =	simm.s32 $0xF000  }
0x110: {  	[tilespmem:s21], [sflag:$0x2] =	stream.indirect_vreg.gather [hbm4b:s15+s4], $0x80, v2, vm0, $0xb8;
	[tilespmem:$0x1A000] =	vst v63  }
0x111: {  	s2 =	simm.s32 $0xF800  }
0x112: {  	[tilespmem:s2], [sflag:$0x2] =	stream.indirect_vreg.gather [hbm4b:s16+s4], $0x80, v2, vm0, $0xb8;
	[tilespmem:$0x1A000] =	vst v63  }
0x113: {  	s3 =	simm.s32 $0x10000  }
0x114: {  	[tilespmem:s3], [sflag:$0x2] =	stream.indirect_vreg.gather [hbm4b:s17+s4], $0x80, v2, vm0, $0xb8;
	[tilespmem:$0x1A000] =	vst v63  }
0x115: {  	s21 =	simm.s32 $0x10800  }
0x116: {  	[tilespmem:s21], [sflag:$0x2] =	stream.indirect_vreg.gather [hbm4b:s18+s4], $0x80, v2, vm0, $0xb8;
	[tilespmem:$0x1A000] =	vst v63  }
0x117: {  	s2 =	simm.s32 $0x11000  }
0x118: {  	[tilespmem:s2], [sflag:$0x2] =	stream.indirect_vreg.gather [hbm4b:s19+s4], $0x80, v2, vm0, $0xb8;
	[tilespmem:$0x1A000] =	vst v63  }
0x119: {  	s3 =	simm.s32 $0x11800;
	s21 =	simm.s32 $0x6  }
0x11a: {  	[tilespmem:s3], [sflag:$0x2] =	stream.indirect_vreg.gather [hbm4b:s20+s4], $0x80, v2, vm0, $0xb8;
	[tilespmem:$0x1A000] =	vst v63  }
0x11b: {  	_ =	swait.ge [sflag:s21], $0x8000  }
0x11c: {  	[sflag:s21] =	ssyncset.done $0x0  }
0x11d: {  	[sflag:s21] =	ssyncadd.s32 $0xFFFF8000  }
0x11e: {  	v2 =	vld.msk [tilespmem:s29+$0x0], $0xf;
	_ =	sdelay $0x4  }
0x11f: {  	v3 =	vshll.u32 v2, $0x6  }
0x120: {  	v2 =	vand.u32 $0x7, v2;
	v3 =	vand.u32 $0xFFFFFE00, v3  }
0x121: {  	v2 =	vor.u32 v2, v3  }
0x122: {  	v2 =	vperm.xlane v2, v0;
	_ =	sdelay $0x1  }
0x123: {  	v2 =	vadd.s32 v1, v2;
	_ =	sdelay $0x4  }
0x124: {  	[tilespmem:s5], [sflag:$0x3] =	stream.indirect_vreg.gather [hbm4b:s1+s4], $0x80, v2, vm0, $0xb8;
	[tilespmem:$0x1A000] =	vst v63  }
0x125: {  	s5 =	simm.s32 $0x12800  }
0x126: {  	[tilespmem:s5], [sflag:$0x3] =	stream.indirect_vreg.gather [hbm4b:s6+s4], $0x80, v2, vm0, $0xb8;
	[tilespmem:$0x1A000] =	vst v63  }
0x127: {  	s2 =	simm.s32 $0x13000  }
0x128: {  	[tilespmem:s2], [sflag:$0x3] =	stream.indirect_vreg.gather [hbm4b:s7+s4], $0x80, v2, vm0, $0xb8;
	[tilespmem:$0x1A000] =	vst v63  }
0x129: {  	s21 =	simm.s32 $0x13800  }
0x12a: {  	[tilespmem:s21], [sflag:$0x3] =	stream.indirect_vreg.gather [hbm4b:s8+s4], $0x80, v2, vm0, $0xb8;
	[tilespmem:$0x1A000] =	vst v63  }
0x12b: {  	s2 =	simm.s32 $0x14000  }
0x12c: {  	[tilespmem:s2], [sflag:$0x3] =	stream.indirect_vreg.gather [hbm4b:s9+s4], $0x80, v2, vm0, $0xb8;
	[tilespmem:$0x1A000] =	vst v63  }
0x12d: {  	s21 =	simm.s32 $0x14800  }
0x12e: {  	[tilespmem:s21], [sflag:$0x3] =	stream.indirect_vreg.gather [hbm4b:s10+s4], $0x80, v2, vm0, $0xb8;
	[tilespmem:$0x1A000] =	vst v63  }
0x12f: {  	s2 =	simm.s32 $0x15000  }
0x130: {  	[tilespmem:s2], [sflag:$0x3] =	stream.indirect_vreg.gather [hbm4b:s11+s4], $0x80, v2, vm0, $0xb8;
	[tilespmem:$0x1A000] =	vst v63  }
0x131: {  	s21 =	simm.s32 $0x15800  }
0x132: {  	[tilespmem:s21], [sflag:$0x3] =	stream.indirect_vreg.gather [hbm4b:s12+s4], $0x80, v2, vm0, $0xb8;
	[tilespmem:$0x1A000] =	vst v63  }
0x133: {  	s2 =	simm.s32 $0x16000  }
0x134: {  	[tilespmem:s2], [sflag:$0x3] =	stream.indirect_vreg.gather [hbm4b:s13+s4], $0x80, v2, vm0, $0xb8;
	[tilespmem:$0x1A000] =	vst v63  }
0x135: {  	s21 =	simm.s32 $0x16800  }
0x136: {  	[tilespmem:s21], [sflag:$0x3] =	stream.indirect_vreg.gather [hbm4b:s14+s4], $0x80, v2, vm0, $0xb8;
	[tilespmem:$0x1A000] =	vst v63  }
0x137: {  	s2 =	simm.s32 $0x17000  }
0x138: {  	[tilespmem:s2], [sflag:$0x3] =	stream.indirect_vreg.gather [hbm4b:s15+s4], $0x80, v2, vm0, $0xb8;
	[tilespmem:$0x1A000] =	vst v63  }
0x139: {  	s21 =	simm.s32 $0x17800  }
0x13a: {  	[tilespmem:s21], [sflag:$0x3] =	stream.indirect_vreg.gather [hbm4b:s16+s4], $0x80, v2, vm0, $0xb8;
	[tilespmem:$0x1A000] =	vst v63  }
0x13b: {  	s2 =	simm.s32 $0x18000  }
0x13c: {  	[tilespmem:s2], [sflag:$0x3] =	stream.indirect_vreg.gather [hbm4b:s17+s4], $0x80, v2, vm0, $0xb8;
	[tilespmem:$0x1A000] =	vst v63  }
0x13d: {  	s31 =	simm.s32 $0x2000;
	p0 =	sne.s32 s22, $0x39000;
	s21 =	simm.s32 $0x18800  }
0x13e: {  	[tilespmem:s21], [sflag:$0x3] =	stream.indirect_vreg.gather [hbm4b:s18+s4], $0x80, v2, vm0, $0xb8;
	[tilespmem:$0x1A000] =	vst v63  }
.Ltmp0:
0x13f: {  	s28 =	sadd.s32 $0x40, s28;
	s22 =	sadd.s32 $0x3000, s22;
	(pc) =	sbr.rel @p0 .LBB2_2-.Ltmp0, $4  }
0x140: {  	s26 =	sadd.s32 $0xC0, s26;
	s30 =	simm.s32 $0xA000;
	s2 =	simm.s32 $0x19000  }
0x141: {  	[tilespmem:s2], [sflag:$0x3] =	stream.indirect_vreg.gather [hbm4b:s19+s4], $0x80, v2, vm0, $0xb8;
	[tilespmem:$0x1A000] =	vst v63  }
0x142: {  	s3 =	simm.s32 $0x12000;
	s29 =	sadd.s32 $0x180, s29;
	s21 =	simm.s32 $0x19800  }
0x143: {  	[tilespmem:s21], [sflag:$0x3] =	stream.indirect_vreg.gather [hbm4b:s20+s4], $0x80, v2, vm0, $0xb8;
	[tilespmem:$0x1A000] =	vst v63  }
0x144: {  	s0 =	simm.s32 $0x1  }
0x145: {  	_ =	swait.ge [sflag:s0], $0x8000  }
0x146: {  	s21 =	simm.s32 $0x400;
	[sflag:s0] =	ssyncset.done $0x0  }
0x147: {  	s2 =	rddreg [dreg:$0x7];
	[sflag:s0] =	ssyncadd.s32 $0xFFFF8000;
	s0 =	simm.s32 $0x200  }
0x148: {  	[hbm4b:s2+s0] =	stream.strided.scatter [tilespmem:s31], [sflag:$0x4], $0x8000, s21, s0, $0x38;
	[tilespmem:$0x1A000] =	vst v63  }
0x149: {  	_ =	swait.ge [sflag:s23], $0x8000  }
0x14a: {  	[sflag:s23] =	ssyncset.done $0x0  }
0x14b: {  	s22 =	simm.s32 $0x3;
	s26 =	rddreg [dreg:$0x8];
	[sflag:s23] =	ssyncadd.s32 $0xFFFF8000  }
0x14c: {  	[hbm4b:s26+s0] =	stream.strided.scatter [tilespmem:s30], [sflag:$0x5], $0x8000, s21, s0, $0x38;
	[tilespmem:$0x1A000] =	vst v63  }
0x14d: {  	_ =	swait.ge [sflag:s22], $0x8000  }
0x14e: {  	[sflag:s22] =	ssyncset.done $0x0  }
0x14f: {  	s23 =	rddreg [dreg:$0x9];
	[sflag:s22] =	ssyncadd.s32 $0xFFFF8000  }
0x150: {  	[hbm4b:s23+s0] =	stream.strided.scatter [tilespmem:s3], [sflag:$0x6], $0x8000, s21, s0, $0x38;
	[tilespmem:$0x1A000] =	vst v63  }
0x151: {  	s23 =	simm.s32 $0x4  }
0x152: {  	_ =	swait.ge [sflag:s23], $0x8000  }
0x153: {  	[sflag:s23] =	ssyncset.done $0x0  }
0x154: {  	s2 =	simm.s32 $0x5;
	[sflag:s23] =	ssyncadd.s32 $0xFFFF8000  }
0x155: {  	_ =	swait.ge [sflag:s2], $0x8000  }
0x156: {  	[sflag:s2] =	ssyncset.done $0x0  }
0x157: {  	s0 =	simm.s32 $0x6;
	[sflag:s2] =	ssyncadd.s32 $0xFFFF8000  }
0x158: {  	_ =	swait.ge [sflag:s0], $0x8000  }
0x159: {  	s3 =	rddreg [dreg:$0xb]  }
0x15a: {  	s21 =	rddreg [dreg:$0xa];
	s23 =	sadd.s32 $0x1, s3  }
0x15b: {  	p0 =	sne.s32 s23, s21  }
.Ltmp1:
0x15c: {  	_ = 	snop;
	(pc) =	sbr.rel @p0 .LBB2_1-.Ltmp1, $4  }
0x15d: {  	s28 =	simm.s32 $0x14000  }
0x15e: {  	s29 =	simm.s32 $0x14800;
	s26 =	simm.s32 $0x400;
	[sflag:s0] =	ssyncset.done $0x0  }
0x15f: {  	s22 =	simm.s32 $0x200;
	s2 =	simm.s32 $0x13800;
	[sflag:s0] =	ssyncadd.s32 $0xFFFF8000  }
0x160: {  	s3 =	smov.u32 s1;
	s0 =	simm.s32 $0x13000;
	s21 =	simm.s32 $0x2800  }
0x161: {  	_ =	sfence.sel $0x180000  }
0x162: {  	[bflag:$0x0] =	sbarrier.arrive $0xFFFF  }
0x163: {  	_ =	strace $0x90000047  }
0x164: {  	s0 =	stileid.u32;
	[bflag:$0x2] =	sbarrier.arrive $0xFFFF  }
0x165: {  	p0 =	sne.s32 s0, $0x0;
	s0 =	rddreg [dreg:$0x3]  }
0x166: {  	s0 =	sadd.s32 @!p0 $0x100000, s0  }
0x167: {  	[sflag:s0] =	ssyncadd.tile.s32 @!p0 $0x1;
	_ =	shalt  }
.Lfunc_end2:
_tile_overlayer_lowered:
.L_overlay_start_2:
0x168: {  	(tag) =	ssettag $0x2  }
0x169: {  	s0 =	rddreg [dreg:$0x0];
	s2 =	stileid.u32  }
0x16a: {  	s1 =	rddreg [dreg:$0x1];
	p0 =	sne.s32 s2, $0x0  }
0x16b: {  	s3 =	rddreg [dreg:$0x2];
	[bflag:$0x3] =	sbarrier.arrive $0xFFFF;
	s2 =	simm.s32 @!p0 $0x1C07  }
0x16c: {  	[timem:s3], [sflag:s2] =	dma.local @!p0 [hbm:s0], s1  }
0x16d: {  	s0 =	simm.s32 @!p0 $0x7  }
0x16e: {  	_ =	swait.ge @!p0 [sflag:s0], s1  }
0x16f: {  	s1 =	ssub.s32 @!p0 $0x0, s1;
	[sflag:s0] =	ssyncset.done @!p0 $0x0  }
0x170: {  	[sflag:s0] =	ssyncadd.s32 @!p0 s1  }
0x171: {  	[bflag:$0x3] =	sbarrier.arrive $0xFFFF  }
0x172: {  	_ =	shalt  }

</sc_bundles>
